<compile_context>
chip_gen: v7x
topology: tpu7x:2x2x1
jax: 0.10.2.dev20260603
libtpu: 0.0.44.dev20260713+nightly
codegen_flags: <defaults>
</compile_context>

<pallas_src>
import jax
import jax.numpy as jnp
from jax import lax
from jax.experimental import pallas as pl
from jax.experimental.pallas import tpu as pltpu
from jax.experimental.pallas import tpu_sc as plsc

NUM_ENT = 4096
NUM_REL = 8
HID = 64

N_EDGES = 400000
NW = 32
CHUNK = 128
CPT = 98
EPT = CPT * CHUNK
LAST_EDGES = N_EDGES - 31 * EPT
LAST_CPT = LAST_EDGES // CHUNK


def _sc_scatter_body(table_h, idx_h, t_h, out_h, idx_v, t_v, rows_v, rows_w,
                     zbuf, acc, sem, semb):
    c = lax.axis_index("c")
    s = lax.axis_index("s")
    w = c * 16 + s
    base = w * EPT

    @pl.loop(0, 64)
    def _zero(i):
        for k in range(4):
            zbuf[i, pl.ds(k * 16, 16)] = jnp.zeros((16,), jnp.float32)

    for b in range(4):
        pltpu.sync_copy(zbuf, acc.at[pl.ds(s * 256 + b * 64, 64)])

    pltpu.async_copy(idx_h.at[pl.ds(base, LAST_EDGES)],
                     idx_v.at[pl.ds(0, LAST_EDGES)], sem)
    pltpu.async_copy(t_h.at[pl.ds(base, LAST_EDGES)],
                     t_v.at[pl.ds(0, LAST_EDGES)], semb)

    @pl.when(w < NW - 1)
    def _rest():
        pltpu.async_copy(idx_h.at[pl.ds(base + LAST_EDGES, EPT - LAST_EDGES)],
                         idx_v.at[pl.ds(LAST_EDGES, EPT - LAST_EDGES)], sem)
        pltpu.async_copy(t_h.at[pl.ds(base + LAST_EDGES, EPT - LAST_EDGES)],
                         t_v.at[pl.ds(LAST_EDGES, EPT - LAST_EDGES)], semb)
        pltpu.make_async_copy(
            idx_h.at[pl.ds(base + LAST_EDGES, EPT - LAST_EDGES)],
            idx_v.at[pl.ds(LAST_EDGES, EPT - LAST_EDGES)], sem).wait()
        pltpu.make_async_copy(
            t_h.at[pl.ds(base + LAST_EDGES, EPT - LAST_EDGES)],
            t_v.at[pl.ds(LAST_EDGES, EPT - LAST_EDGES)], semb).wait()

    pltpu.make_async_copy(idx_h.at[pl.ds(base, LAST_EDGES)],
                          idx_v.at[pl.ds(0, LAST_EDGES)], sem).wait()
    pltpu.make_async_copy(t_h.at[pl.ds(base, LAST_EDGES)],
                          t_v.at[pl.ds(0, LAST_EDGES)], semb).wait()

    n_chunks = jnp.where(w < NW - 1, CPT, LAST_CPT)

    plsc.subcore_barrier()

    last = (n_chunks - 1) * CHUNK

    def _issue(cb, buf, sm):
        pltpu.async_copy(table_h.at[idx_v.at[pl.ds(cb, CHUNK)]], buf, sm)

    def _wait(buf, sm):
        pltpu.make_async_copy(table_h.at[idx_v.at[pl.ds(0, CHUNK)]], buf,
                              sm).wait()

    _issue(0, rows_v, sem)

    @pl.loop(0, n_chunks)
    def _main(j):
        even = j % 2 == 0

        @pl.when(even)
        def _a():
            _issue(jnp.minimum((j + 1) * CHUNK, last), rows_w, semb)
            _wait(rows_v, sem)
            pltpu.sync_copy(rows_v, acc.at[t_v.at[pl.ds(j * CHUNK, CHUNK)]],
                            add=True)

        @pl.when(jnp.logical_not(even))
        def _b():
            _issue(jnp.minimum((j + 1) * CHUNK, last), rows_v, sem)
            _wait(rows_w, semb)
            pltpu.sync_copy(rows_w, acc.at[t_v.at[pl.ds(j * CHUNK, CHUNK)]],
                            add=True)

    @pl.when(n_chunks % 2 == 1)
    def _drain_a():
        _wait(rows_w, semb)

    @pl.when(n_chunks % 2 == 0)
    def _drain_b():
        _wait(rows_v, sem)

    plsc.subcore_barrier()

    pltpu.sync_copy(acc.at[pl.ds(s * 256, 256)],
                    out_h.at[c, pl.ds(s * 256, 256)])


def _sc_scatter(table, idx, t):
    return pl.kernel(
        _sc_scatter_body,
        out_type=jax.ShapeDtypeStruct((2, NUM_ENT, HID), jnp.float32),
        mesh=plsc.VectorSubcoreMesh(core_axis_name="c", subcore_axis_name="s"),
        scratch_types=[
            pltpu.VMEM((EPT,), jnp.int32),
            pltpu.VMEM((EPT,), jnp.int32),
            pltpu.VMEM((CHUNK, HID), jnp.float32),
            pltpu.VMEM((CHUNK, HID), jnp.float32),
            pltpu.VMEM((64, HID), jnp.float32),
            pltpu.VMEM_SHARED((NUM_ENT, HID), jnp.float32),
            pltpu.SemaphoreType.DMA,
            pltpu.SemaphoreType.DMA,
        ],
        compiler_params=pltpu.CompilerParams(use_tc_tiling_on_sc=False,
                                             needs_layout_passes=False),
    )(table, idx, t)


def _diag_proj_rel(emb_rel, W_mr):
    pr = (emb_rel @ W_mr.T).reshape(NUM_REL, NUM_REL, HID)
    return pr[jnp.arange(NUM_REL), jnp.arange(NUM_REL)]


def kernel(triplets, W_res0, W_me0, W_mr0, W_pr0, W_res1, W_me1, W_mr1, W_pr1):
    h = triplets[:, 0]
    r = triplets[:, 1]
    t = triplets[:, 2]
    idx = h * NUM_REL + r

    P0 = _diag_proj_rel(jnp.eye(NUM_REL, dtype=jnp.float32), W_mr0)
    T0 = (W_me0.T.reshape(NUM_ENT, NUM_REL, HID) + P0[None]).reshape(-1, HID)
    parts0 = _sc_scatter(T0, idx, t)
    emb1 = jax.nn.leaky_relu(W_res0.T + parts0[0] + parts0[1],
                             negative_slope=0.01)
    rel1 = W_pr0.T

    P1 = _diag_proj_rel(rel1, W_mr1)
    T1 = ((emb1 @ W_me1.T).reshape(NUM_ENT, NUM_REL, HID)
          + P1[None]).reshape(-1, HID)
    parts1 = _sc_scatter(T1, idx, t)
    emb2 = jax.nn.leaky_relu(emb1 @ W_res1.T + parts1[0] + parts1[1],
                             negative_slope=0.01)
    rel2 = rel1 @ W_pr1.T
    return (emb2, rel2)

# --- scband reference (transcript-rebuilt; emitter-appended) ---
"""Pipeline reference for scband-re-ed-80315888435553 (READ-ONLY COPY).

The authoritative reference and input builder live on the scoring server;
editing this copy changes nothing except your own understanding.
"""

import jax, jax.numpy as jnp
import numpy as np
import math

NUM_ENT = 4096
NUM_REL = 8
HID_ENT = 64
HID_REL = 64
N_TRIPLETS = 400000
GAIN = math.sqrt(2.0)  # relu gain


def setup_inputs(seed: int = 0) -> dict:
    key = jax.random.key(seed)
    ks = jax.random.split(key, 12)
    h = jax.random.randint(ks[0], (N_TRIPLETS,), 0, NUM_ENT, dtype=jnp.int32)
    r = jax.random.randint(ks[1], (N_TRIPLETS,), 0, NUM_REL, dtype=jnp.int32)
    t = jax.random.randint(ks[2], (N_TRIPLETS,), 0, NUM_ENT, dtype=jnp.int32)
    triplets = jnp.stack([h, r, t], axis=1)

    def xavier(k, shape, fan_in, fan_out):
        std = GAIN * math.sqrt(2.0 / (fan_in + fan_out))
        return jax.random.normal(k, shape, dtype=jnp.float32) * std

    # Layer 0: dim_in_ent=NUM_ENT (one-hot), dim_in_rel=NUM_REL
    W_res0 = xavier(ks[3], (HID_ENT, NUM_ENT), NUM_ENT, HID_ENT)
    W_me0 = xavier(ks[4], (NUM_REL * HID_ENT, NUM_ENT), NUM_ENT, HID_ENT)
    W_mr0 = xavier(ks[5], (NUM_REL * HID_ENT, NUM_REL), NUM_REL, HID_ENT)
    W_pr0 = xavier(ks[6], (HID_REL, NUM_REL), NUM_REL, HID_REL)
    # Layer 1: dim_in_ent=HID_ENT, dim_in_rel=HID_REL
    W_res1 = xavier(ks[7], (HID_ENT, HID_ENT), HID_ENT, HID_ENT)
    W_me1 = xavier(ks[8], (NUM_REL * HID_ENT, HID_ENT), HID_ENT, HID_ENT)
    W_mr1 = xavier(ks[9], (NUM_REL * HID_ENT, HID_REL), HID_REL, HID_ENT)
    W_pr1 = xavier(ks[10], (HID_REL, HID_REL), HID_REL, HID_REL)

    return {
        "triplets": triplets,
        "W_res0": W_res0, "W_me0": W_me0, "W_mr0": W_mr0, "W_pr0": W_pr0,
        "W_res1": W_res1, "W_me1": W_me1, "W_mr1": W_mr1, "W_pr1": W_pr1,
    }


def _ramp_layer(emb_ent, emb_rel, triplets, W_res, W_me, W_mr, W_pr):
    h = triplets[:, 0]
    r = triplets[:, 1]
    t = triplets[:, 2]
    num_ent = emb_ent.shape[0]
    # psi = Identity
    proj_ent = (emb_ent @ W_me.T).reshape(num_ent, NUM_REL, -1)
    proj_rel = (emb_rel @ W_mr.T).reshape(NUM_REL, NUM_REL, -1)
    triplet_msg = proj_ent[h, r] + proj_rel[r, r]
    # aggr_method = 'sum' -> div_coeff = ones, gathered at t (faithful to torch code)
    div_coeff = jnp.ones((num_ent,), dtype=emb_ent.dtype)[t][:, None]
    # rho = Identity
    upd = (emb_ent @ W_res.T).at[t].add(triplet_msg / div_coeff)
    # phi = LeakyReLU (slope 0.01, torch default)
    return jax.nn.leaky_relu(upd, negative_slope=0.01), emb_rel @ W_pr.T


def reference(triplets, W_res0, W_me0, W_mr0, W_pr0, W_res1, W_me1, W_mr1, W_pr1):
    emb_ent = jnp.eye(NUM_ENT, dtype=jnp.float32)
    emb_rel = jnp.eye(NUM_REL, dtype=jnp.float32)
    emb_ent, emb_rel = _ramp_layer(emb_ent, emb_rel, triplets, W_res0, W_me0, W_mr0, W_pr0)
    emb_ent, emb_rel = _ramp_layer(emb_ent, emb_rel, triplets, W_res1, W_me1, W_mr1, W_pr1)
    return (emb_ent, emb_rel)

if __name__ == "__main__":
    import jax
    _d = setup_inputs()
    print(jax.jit(kernel)(*tuple(_d.values())))

</pallas_src>

<mosaic_0001>
#map = affine_map<(d0, d1) -> (0, 0)>
#map1 = affine_map<(d0, d1) -> (0)>
#map2 = affine_map<(d0, d1) -> (0, 0, 0)>
module attributes {stable_mosaic.version = 14 : i64} {
  func.func @_sc_scatter_body(%arg0: i32, %arg1: i32, %arg2: memref<32768x64xf32, #tpu.memory_space<hbm>>, %arg3: memref<400000xi32, #tpu.memory_space<hbm>>, %arg4: memref<400000xi32, #tpu.memory_space<hbm>>, %arg5: memref<2x4096x64xf32, #tpu.memory_space<hbm>>, %arg6: memref<12544xi32, #tpu.memory_space<vmem>>, %arg7: memref<12544xi32, #tpu.memory_space<vmem>>, %arg8: memref<128x64xf32, #tpu.memory_space<vmem>>, %arg9: memref<128x64xf32, #tpu.memory_space<vmem>>, %arg10: memref<64x64xf32, #tpu.memory_space<vmem>>, %arg11: memref<4096x64xf32, #tpu.memory_space<vmem_shared>>, %arg12: memref<!tpu.dma_semaphore, #tpu.memory_space<semaphore_mem>>, %arg13: memref<!tpu.dma_semaphore, #tpu.memory_space<semaphore_mem>>) attributes {dimension_semantics = [#tpu.dimension_semantics<core_parallel>, #tpu.dimension_semantics<subcore_parallel>], iteration_bounds = array<i64: 2, 16>, scalar_prefetch = 0 : i64, scratch_operands = 8 : i64, tpu.core_type = #tpu.core_type<sc_vector_subcore>, window_params = [{transform_indices = #map}, {transform_indices = #map1}, {transform_indices = #map1}, {transform_indices = #map2}]} {
    %mul3A = arith.constant 16 : i32
    %mul3A_0 = arith.muli %arg0, %mul3A : i32
    %add3A = arith.addi %mul3A_0, %arg1 : i32
    %mul3A_1 = arith.constant 12544 : i32
    %mul3A_2 = arith.muli %add3A, %mul3A_1 : i32
    %scan3A = arith.constant 0 : i32
    %scan3A_3 = arith.constant 64 : i32
    %scan3A_4 = arith.addi %scan3A, %scan3A_3 : i32
    %scan3A_5 = arith.constant 1 : i32
    scf.for %scan3A_118 = %scan3A to %scan3A_4 step %scan3A_5  : i32 {
      %mul3A_119 = arith.constant 1 : i32
      %mul3A_120 = arith.muli %scan3A_118, %mul3A_119 : i32
      %add3A_121 = arith.constant 0 : i32
      %add3A_122 = arith.addi %add3A_121, %mul3A_120 : i32
      %broadcast_in_dim3A = arith.constant 0.000000e+00 : f32
      %broadcast_in_dim3A_123 = vector.broadcast %broadcast_in_dim3A : f32 to vector<16xf32>
      %swap3A = arith.index_cast %add3A_122 : i32 to index
      %swap3A_124 = arith.constant 0 : index
      %swap3A_125 = tpu.vector_load %arg10[%swap3A, %swap3A_124] {strides = array<i32>} : memref<64x64xf32, #tpu.memory_space<vmem>>, vector<16xf32>,
      tpu.vector_store %arg10[%swap3A, %swap3A_124], %broadcast_in_dim3A_123 {strides = array<i32>} : memref<64x64xf32, #tpu.memory_space<vmem>>, vector<16xf32>,
      %broadcast_in_dim3A_126 = arith.constant 0.000000e+00 : f32
      %broadcast_in_dim3A_127 = vector.broadcast %broadcast_in_dim3A_126 : f32 to vector<16xf32>
      %swap3A_128 = arith.index_cast %add3A_122 : i32 to index
      %swap3A_129 = arith.constant 16 : index
      %swap3A_130 = tpu.vector_load %arg10[%swap3A_128, %swap3A_129] {strides = array<i32>} : memref<64x64xf32, #tpu.memory_space<vmem>>, vector<16xf32>,
      tpu.vector_store %arg10[%swap3A_128, %swap3A_129], %broadcast_in_dim3A_127 {strides = array<i32>} : memref<64x64xf32, #tpu.memory_space<vmem>>, vector<16xf32>,
      %broadcast_in_dim3A_131 = arith.constant 0.000000e+00 : f32
      %broadcast_in_dim3A_132 = vector.broadcast %broadcast_in_dim3A_131 : f32 to vector<16xf32>
      %swap3A_133 = arith.index_cast %add3A_122 : i32 to index
      %swap3A_134 = arith.constant 32 : index
      %swap3A_135 = tpu.vector_load %arg10[%swap3A_133, %swap3A_134] {strides = array<i32>} : memref<64x64xf32, #tpu.memory_space<vmem>>, vector<16xf32>,
      tpu.vector_store %arg10[%swap3A_133, %swap3A_134], %broadcast_in_dim3A_132 {strides = array<i32>} : memref<64x64xf32, #tpu.memory_space<vmem>>, vector<16xf32>,
      %broadcast_in_dim3A_136 = arith.constant 0.000000e+00 : f32
      %broadcast_in_dim3A_137 = vector.broadcast %broadcast_in_dim3A_136 : f32 to vector<16xf32>
      %swap3A_138 = arith.index_cast %add3A_122 : i32 to index
      %swap3A_139 = arith.constant 48 : index
      %swap3A_140 = tpu.vector_load %arg10[%swap3A_138, %swap3A_139] {strides = array<i32>} : memref<64x64xf32, #tpu.memory_space<vmem>>, vector<16xf32>,
      tpu.vector_store %arg10[%swap3A_138, %swap3A_139], %broadcast_in_dim3A_137 {strides = array<i32>} : memref<64x64xf32, #tpu.memory_space<vmem>>, vector<16xf32>,
    }
    %scan3A_6 = arith.constant 64 : i32
    %mul3A_7 = arith.constant 256 : i32
    %mul3A_8 = arith.muli %arg1, %mul3A_7 : i32
    %add3A_9 = arith.constant 0 : i32
    %add3A_10 = arith.addi %mul3A_8, %add3A_9 : i32
    "tpu.region"() ({
      %run_scoped3A = tpu.sem_alloc : memref<!tpu.dma_semaphore, #tpu.memory_space<semaphore_mem>>
      %dma_start3A_118 = arith.constant 0 : i32
      %dma_start3A_119 = tpu.memref_slice %arg11[%add3A_10, %dma_start3A_118] : memref<4096x64xf32, #tpu.memory_space<vmem_shared>> -> memref<64x64xf32, #tpu.memory_space<vmem_shared>>
      %dma_start3A_120 = arith.constant 0 : i32
      %dma_start3A_121 = tpu.memref_slice %arg11[%add3A_10, %dma_start3A_120] : memref<4096x64xf32, #tpu.memory_space<vmem_shared>> -> memref<64x64xf32, #tpu.memory_space<vmem_shared>>
      tpu.enqueue_dma source(%arg10 : memref<64x64xf32, #tpu.memory_space<vmem>>) target(%dma_start3A_121 : memref<64x64xf32, #tpu.memory_space<vmem_shared>>) target_semaphore(%run_scoped3A : memref<!tpu.dma_semaphore, #tpu.memory_space<semaphore_mem>>)
      %dma_wait3A_122 = arith.constant 0 : i32
      %dma_wait3A_123 = tpu.memref_slice %arg11[%add3A_10, %dma_wait3A_122] : memref<4096x64xf32, #tpu.memory_space<vmem_shared>> -> memref<64x64xf32, #tpu.memory_space<vmem_shared>>
      %dma_wait3A_124 = arith.constant 0 : i32
      %dma_wait3A_125 = tpu.memref_slice %arg11[%add3A_10, %dma_wait3A_124] : memref<4096x64xf32, #tpu.memory_space<vmem_shared>> -> memref<64x64xf32, #tpu.memory_space<vmem_shared>>
      tpu.wait_dma2 semaphore(%run_scoped3A : memref<!tpu.dma_semaphore, #tpu.memory_space<semaphore_mem>>) src(%arg10 : memref<64x64xf32, #tpu.memory_space<vmem>>) dst(%dma_wait3A_125 : memref<64x64xf32, #tpu.memory_space<vmem_shared>>)
      tpu.yield
    }) : () -> ()
    %mul3A_11 = arith.constant 256 : i32
    %mul3A_12 = arith.muli %arg1, %mul3A_11 : i32
    %add3A_13 = arith.constant 64 : i32
    %add3A_14 = arith.addi %mul3A_12, %add3A_13 : i32
    "tpu.region"() ({
      %run_scoped3A = tpu.sem_alloc : memref<!tpu.dma_semaphore, #tpu.memory_space<semaphore_mem>>
      %dma_start3A_118 = arith.constant 0 : i32
      %dma_start3A_119 = tpu.memref_slice %arg11[%add3A_14, %dma_start3A_118] : memref<4096x64xf32, #tpu.memory_space<vmem_shared>> -> memref<64x64xf32, #tpu.memory_space<vmem_shared>>
      %dma_start3A_120 = arith.constant 0 : i32
      %dma_start3A_121 = tpu.memref_slice %arg11[%add3A_14, %dma_start3A_120] : memref<4096x64xf32, #tpu.memory_space<vmem_shared>> -> memref<64x64xf32, #tpu.memory_space<vmem_shared>>
      tpu.enqueue_dma source(%arg10 : memref<64x64xf32, #tpu.memory_space<vmem>>) target(%dma_start3A_121 : memref<64x64xf32, #tpu.memory_space<vmem_shared>>) target_semaphore(%run_scoped3A : memref<!tpu.dma_semaphore, #tpu.memory_space<semaphore_mem>>)
      %dma_wait3A_122 = arith.constant 0 : i32
      %dma_wait3A_123 = tpu.memref_slice %arg11[%add3A_14, %dma_wait3A_122] : memref<4096x64xf32, #tpu.memory_space<vmem_shared>> -> memref<64x64xf32, #tpu.memory_space<vmem_shared>>
      %dma_wait3A_124 = arith.constant 0 : i32
      %dma_wait3A_125 = tpu.memref_slice %arg11[%add3A_14, %dma_wait3A_124] : memref<4096x64xf32, #tpu.memory_space<vmem_shared>> -> memref<64x64xf32, #tpu.memory_space<vmem_shared>>
      tpu.wait_dma2 semaphore(%run_scoped3A : memref<!tpu.dma_semaphore, #tpu.memory_space<semaphore_mem>>) src(%arg10 : memref<64x64xf32, #tpu.memory_space<vmem>>) dst(%dma_wait3A_125 : memref<64x64xf32, #tpu.memory_space<vmem_shared>>)
      tpu.yield
    }) : () -> ()
    %mul3A_15 = arith.constant 256 : i32
    %mul3A_16 = arith.muli %arg1, %mul3A_15 : i32
    %add3A_17 = arith.constant 128 : i32
    %add3A_18 = arith.addi %mul3A_16, %add3A_17 : i32
    "tpu.region"() ({
      %run_scoped3A = tpu.sem_alloc : memref<!tpu.dma_semaphore, #tpu.memory_space<semaphore_mem>>
      %dma_start3A_118 = arith.constant 0 : i32
      %dma_start3A_119 = tpu.memref_slice %arg11[%add3A_18, %dma_start3A_118] : memref<4096x64xf32, #tpu.memory_space<vmem_shared>> -> memref<64x64xf32, #tpu.memory_space<vmem_shared>>
      %dma_start3A_120 = arith.constant 0 : i32
      %dma_start3A_121 = tpu.memref_slice %arg11[%add3A_18, %dma_start3A_120] : memref<4096x64xf32, #tpu.memory_space<vmem_shared>> -> memref<64x64xf32, #tpu.memory_space<vmem_shared>>
      tpu.enqueue_dma source(%arg10 : memref<64x64xf32, #tpu.memory_space<vmem>>) target(%dma_start3A_121 : memref<64x64xf32, #tpu.memory_space<vmem_shared>>) target_semaphore(%run_scoped3A : memref<!tpu.dma_semaphore, #tpu.memory_space<semaphore_mem>>)
      %dma_wait3A_122 = arith.constant 0 : i32
      %dma_wait3A_123 = tpu.memref_slice %arg11[%add3A_18, %dma_wait3A_122] : memref<4096x64xf32, #tpu.memory_space<vmem_shared>> -> memref<64x64xf32, #tpu.memory_space<vmem_shared>>
      %dma_wait3A_124 = arith.constant 0 : i32
      %dma_wait3A_125 = tpu.memref_slice %arg11[%add3A_18, %dma_wait3A_124] : memref<4096x64xf32, #tpu.memory_space<vmem_shared>> -> memref<64x64xf32, #tpu.memory_space<vmem_shared>>
      tpu.wait_dma2 semaphore(%run_scoped3A : memref<!tpu.dma_semaphore, #tpu.memory_space<semaphore_mem>>) src(%arg10 : memref<64x64xf32, #tpu.memory_space<vmem>>) dst(%dma_wait3A_125 : memref<64x64xf32, #tpu.memory_space<vmem_shared>>)
      tpu.yield
    }) : () -> ()
    %mul3A_19 = arith.constant 256 : i32
    %mul3A_20 = arith.muli %arg1, %mul3A_19 : i32
    %add3A_21 = arith.constant 192 : i32
    %add3A_22 = arith.addi %mul3A_20, %add3A_21 : i32
    "tpu.region"() ({
      %run_scoped3A = tpu.sem_alloc : memref<!tpu.dma_semaphore, #tpu.memory_space<semaphore_mem>>
      %dma_start3A_118 = arith.constant 0 : i32
      %dma_start3A_119 = tpu.memref_slice %arg11[%add3A_22, %dma_start3A_118] : memref<4096x64xf32, #tpu.memory_space<vmem_shared>> -> memref<64x64xf32, #tpu.memory_space<vmem_shared>>
      %dma_start3A_120 = arith.constant 0 : i32
      %dma_start3A_121 = tpu.memref_slice %arg11[%add3A_22, %dma_start3A_120] : memref<4096x64xf32, #tpu.memory_space<vmem_shared>> -> memref<64x64xf32, #tpu.memory_space<vmem_shared>>
      tpu.enqueue_dma source(%arg10 : memref<64x64xf32, #tpu.memory_space<vmem>>) target(%dma_start3A_121 : memref<64x64xf32, #tpu.memory_space<vmem_shared>>) target_semaphore(%run_scoped3A : memref<!tpu.dma_semaphore, #tpu.memory_space<semaphore_mem>>)
      %dma_wait3A_122 = arith.constant 0 : i32
      %dma_wait3A_123 = tpu.memref_slice %arg11[%add3A_22, %dma_wait3A_122] : memref<4096x64xf32, #tpu.memory_space<vmem_shared>> -> memref<64x64xf32, #tpu.memory_space<vmem_shared>>
      %dma_wait3A_124 = arith.constant 0 : i32
      %dma_wait3A_125 = tpu.memref_slice %arg11[%add3A_22, %dma_wait3A_124] : memref<4096x64xf32, #tpu.memory_space<vmem_shared>> -> memref<64x64xf32, #tpu.memory_space<vmem_shared>>
      tpu.wait_dma2 semaphore(%run_scoped3A : memref<!tpu.dma_semaphore, #tpu.memory_space<semaphore_mem>>) src(%arg10 : memref<64x64xf32, #tpu.memory_space<vmem>>) dst(%dma_wait3A_125 : memref<64x64xf32, #tpu.memory_space<vmem_shared>>)
      tpu.yield
    }) : () -> ()
    %dma_start3A = arith.constant 0 : i32
    %dma_start3A_23 = tpu.memref_slice %arg6[%dma_start3A] : memref<12544xi32, #tpu.memory_space<vmem>> -> memref<11136xi32, #tpu.memory_space<vmem>>
    %dma_start3A_24 = tpu.memref_slice %arg3[%mul3A_2] : memref<400000xi32, #tpu.memory_space<hbm>> -> memref<11136xi32, #tpu.memory_space<hbm>>
    %dma_start3A_25 = arith.constant 0 : i32
    %dma_start3A_26 = tpu.memref_slice %arg6[%dma_start3A_25] : memref<12544xi32, #tpu.memory_space<vmem>> -> memref<11136xi32, #tpu.memory_space<vmem>>
    %dma_start3A_27 = tpu.memref_slice %arg3[%mul3A_2] : memref<400000xi32, #tpu.memory_space<hbm>> -> memref<11136xi32, #tpu.memory_space<hbm>>
    tpu.enqueue_dma source(%dma_start3A_27 : memref<11136xi32, #tpu.memory_space<hbm>>) target(%dma_start3A_26 : memref<11136xi32, #tpu.memory_space<vmem>>) target_semaphore(%arg12 : memref<!tpu.dma_semaphore, #tpu.memory_space<semaphore_mem>>)
    %dma_start3A_28 = arith.constant 0 : i32
    %dma_start3A_29 = tpu.memref_slice %arg7[%dma_start3A_28] : memref<12544xi32, #tpu.memory_space<vmem>> -> memref<11136xi32, #tpu.memory_space<vmem>>
    %dma_start3A_30 = tpu.memref_slice %arg4[%mul3A_2] : memref<400000xi32, #tpu.memory_space<hbm>> -> memref<11136xi32, #tpu.memory_space<hbm>>
    %dma_start3A_31 = arith.constant 0 : i32
    %dma_start3A_32 = tpu.memref_slice %arg7[%dma_start3A_31] : memref<12544xi32, #tpu.memory_space<vmem>> -> memref<11136xi32, #tpu.memory_space<vmem>>
    %dma_start3A_33 = tpu.memref_slice %arg4[%mul3A_2] : memref<400000xi32, #tpu.memory_space<hbm>> -> memref<11136xi32, #tpu.memory_space<hbm>>
    tpu.enqueue_dma source(%dma_start3A_33 : memref<11136xi32, #tpu.memory_space<hbm>>) target(%dma_start3A_32 : memref<11136xi32, #tpu.memory_space<vmem>>) target_semaphore(%arg13 : memref<!tpu.dma_semaphore, #tpu.memory_space<semaphore_mem>>)
    %lt3A = arith.constant 31 : i32
    %lt3A_34 = arith.cmpi slt, %add3A, %lt3A : i32
    %convert_element_type3A = arith.extui %lt3A_34 : i1 to i32
    %cond3A = arith.constant 0 : i32
    %cond3A_35 = arith.cmpi ne, %convert_element_type3A, %cond3A : i32
    scf.if %cond3A_35 {
      %add3A_118 = arith.constant 11136 : i32
      %add3A_119 = arith.addi %mul3A_2, %add3A_118 : i32
      %dma_start3A_120 = arith.constant 11136 : i32
      %dma_start3A_121 = tpu.memref_slice %arg6[%dma_start3A_120] : memref<12544xi32, #tpu.memory_space<vmem>> -> memref<1408xi32, #tpu.memory_space<vmem>>
      %dma_start3A_122 = tpu.memref_slice %arg3[%add3A_119] : memref<400000xi32, #tpu.memory_space<hbm>> -> memref<1408xi32, #tpu.memory_space<hbm>>
      %dma_start3A_123 = arith.constant 11136 : i32
      %dma_start3A_124 = tpu.memref_slice %arg6[%dma_start3A_123] : memref<12544xi32, #tpu.memory_space<vmem>> -> memref<1408xi32, #tpu.memory_space<vmem>>
      %dma_start3A_125 = tpu.memref_slice %arg3[%add3A_119] : memref<400000xi32, #tpu.memory_space<hbm>> -> memref<1408xi32, #tpu.memory_space<hbm>>
      tpu.enqueue_dma source(%dma_start3A_125 : memref<1408xi32, #tpu.memory_space<hbm>>) target(%dma_start3A_124 : memref<1408xi32, #tpu.memory_space<vmem>>) target_semaphore(%arg12 : memref<!tpu.dma_semaphore, #tpu.memory_space<semaphore_mem>>)
      %add3A_126 = arith.constant 11136 : i32
      %add3A_127 = arith.addi %mul3A_2, %add3A_126 : i32
      %dma_start3A_128 = arith.constant 11136 : i32
      %dma_start3A_129 = tpu.memref_slice %arg7[%dma_start3A_128] : memref<12544xi32, #tpu.memory_space<vmem>> -> memref<1408xi32, #tpu.memory_space<vmem>>
      %dma_start3A_130 = tpu.memref_slice %arg4[%add3A_127] : memref<400000xi32, #tpu.memory_space<hbm>> -> memref<1408xi32, #tpu.memory_space<hbm>>
      %dma_start3A_131 = arith.constant 11136 : i32
      %dma_start3A_132 = tpu.memref_slice %arg7[%dma_start3A_131] : memref<12544xi32, #tpu.memory_space<vmem>> -> memref<1408xi32, #tpu.memory_space<vmem>>
      %dma_start3A_133 = tpu.memref_slice %arg4[%add3A_127] : memref<400000xi32, #tpu.memory_space<hbm>> -> memref<1408xi32, #tpu.memory_space<hbm>>
      tpu.enqueue_dma source(%dma_start3A_133 : memref<1408xi32, #tpu.memory_space<hbm>>) target(%dma_start3A_132 : memref<1408xi32, #tpu.memory_space<vmem>>) target_semaphore(%arg13 : memref<!tpu.dma_semaphore, #tpu.memory_space<semaphore_mem>>)
      %add3A_134 = arith.constant 11136 : i32
      %add3A_135 = arith.addi %mul3A_2, %add3A_134 : i32
      %dma_wait3A_136 = arith.constant 11136 : i32
      %dma_wait3A_137 = tpu.memref_slice %arg6[%dma_wait3A_136] : memref<12544xi32, #tpu.memory_space<vmem>> -> memref<1408xi32, #tpu.memory_space<vmem>>
      %dma_wait3A_138 = tpu.memref_slice %arg3[%add3A_135] : memref<400000xi32, #tpu.memory_space<hbm>> -> memref<1408xi32, #tpu.memory_space<hbm>>
      %dma_wait3A_139 = arith.constant 11136 : i32
      %dma_wait3A_140 = tpu.memref_slice %arg6[%dma_wait3A_139] : memref<12544xi32, #tpu.memory_space<vmem>> -> memref<1408xi32, #tpu.memory_space<vmem>>
      %dma_wait3A_141 = tpu.memref_slice %arg3[%add3A_135] : memref<400000xi32, #tpu.memory_space<hbm>> -> memref<1408xi32, #tpu.memory_space<hbm>>
      tpu.wait_dma2 semaphore(%arg12 : memref<!tpu.dma_semaphore, #tpu.memory_space<semaphore_mem>>) src(%dma_wait3A_141 : memref<1408xi32, #tpu.memory_space<hbm>>) dst(%dma_wait3A_140 : memref<1408xi32, #tpu.memory_space<vmem>>)
      %add3A_142 = arith.constant 11136 : i32
      %add3A_143 = arith.addi %mul3A_2, %add3A_142 : i32
      %dma_wait3A_144 = arith.constant 11136 : i32
      %dma_wait3A_145 = tpu.memref_slice %arg7[%dma_wait3A_144] : memref<12544xi32, #tpu.memory_space<vmem>> -> memref<1408xi32, #tpu.memory_space<vmem>>
      %dma_wait3A_146 = tpu.memref_slice %arg4[%add3A_143] : memref<400000xi32, #tpu.memory_space<hbm>> -> memref<1408xi32, #tpu.memory_space<hbm>>
      %dma_wait3A_147 = arith.constant 11136 : i32
      %dma_wait3A_148 = tpu.memref_slice %arg7[%dma_wait3A_147] : memref<12544xi32, #tpu.memory_space<vmem>> -> memref<1408xi32, #tpu.memory_space<vmem>>
      %dma_wait3A_149 = tpu.memref_slice %arg4[%add3A_143] : memref<400000xi32, #tpu.memory_space<hbm>> -> memref<1408xi32, #tpu.memory_space<hbm>>
      tpu.wait_dma2 semaphore(%arg13 : memref<!tpu.dma_semaphore, #tpu.memory_space<semaphore_mem>>) src(%dma_wait3A_149 : memref<1408xi32, #tpu.memory_space<hbm>>) dst(%dma_wait3A_148 : memref<1408xi32, #tpu.memory_space<vmem>>)
    } else {
    }
    %dma_wait3A = arith.constant 0 : i32
    %dma_wait3A_36 = tpu.memref_slice %arg6[%dma_wait3A] : memref<12544xi32, #tpu.memory_space<vmem>> -> memref<11136xi32, #tpu.memory_space<vmem>>
    %dma_wait3A_37 = tpu.memref_slice %arg3[%mul3A_2] : memref<400000xi32, #tpu.memory_space<hbm>> -> memref<11136xi32, #tpu.memory_space<hbm>>
    %dma_wait3A_38 = arith.constant 0 : i32
    %dma_wait3A_39 = tpu.memref_slice %arg6[%dma_wait3A_38] : memref<12544xi32, #tpu.memory_space<vmem>> -> memref<11136xi32, #tpu.memory_space<vmem>>
    %dma_wait3A_40 = tpu.memref_slice %arg3[%mul3A_2] : memref<400000xi32, #tpu.memory_space<hbm>> -> memref<11136xi32, #tpu.memory_space<hbm>>
    tpu.wait_dma2 semaphore(%arg12 : memref<!tpu.dma_semaphore, #tpu.memory_space<semaphore_mem>>) src(%dma_wait3A_40 : memref<11136xi32, #tpu.memory_space<hbm>>) dst(%dma_wait3A_39 : memref<11136xi32, #tpu.memory_space<vmem>>)
    %dma_wait3A_41 = arith.constant 0 : i32
    %dma_wait3A_42 = tpu.memref_slice %arg7[%dma_wait3A_41] : memref<12544xi32, #tpu.memory_space<vmem>> -> memref<11136xi32, #tpu.memory_space<vmem>>
    %dma_wait3A_43 = tpu.memref_slice %arg4[%mul3A_2] : memref<400000xi32, #tpu.memory_space<hbm>> -> memref<11136xi32, #tpu.memory_space<hbm>>
    %dma_wait3A_44 = arith.constant 0 : i32
    %dma_wait3A_45 = tpu.memref_slice %arg7[%dma_wait3A_44] : memref<12544xi32, #tpu.memory_space<vmem>> -> memref<11136xi32, #tpu.memory_space<vmem>>
    %dma_wait3A_46 = tpu.memref_slice %arg4[%mul3A_2] : memref<400000xi32, #tpu.memory_space<hbm>> -> memref<11136xi32, #tpu.memory_space<hbm>>
    tpu.wait_dma2 semaphore(%arg13 : memref<!tpu.dma_semaphore, #tpu.memory_space<semaphore_mem>>) src(%dma_wait3A_46 : memref<11136xi32, #tpu.memory_space<hbm>>) dst(%dma_wait3A_45 : memref<11136xi32, #tpu.memory_space<vmem>>)
    %lt3A_47 = arith.constant 31 : i32
    %lt3A_48 = arith.cmpi slt, %add3A, %lt3A_47 : i32
    %jit3A = arith.constant 98 : i32
    %jit3A_49 = arith.constant 87 : i32
    %select_n3A = arith.select %lt3A_48, %jit3A, %jit3A_49 : i32
    %barrier3A = arith.constant 0 : index
    tpu.barrier barrier_id(%barrier3A)
    %sub3A = arith.constant 1 : i32
    %sub3A_50 = arith.subi %select_n3A, %sub3A : i32
    %mul3A_51 = arith.constant 128 : i32
    %mul3A_52 = arith.muli %sub3A_50, %mul3A_51 : i32
    %dma_start3A_53 = arith.constant 0 : i32
    %dma_start3A_54 = tpu.memref_slice %arg6[%dma_start3A_53] : memref<12544xi32, #tpu.memory_space<vmem>> -> memref<128xi32, #tpu.memory_space<vmem>>
    %dma_start3A_55 = arith.constant 0 : i32
    %dma_start3A_56 = arith.constant 0 : i32
    %dma_start3A_57 = tpu.memref_slice %arg2[%dma_start3A_55, %dma_start3A_56] : memref<32768x64xf32, #tpu.memory_space<hbm>> -> memref<32768x64xf32, #tpu.memory_space<hbm>>
    tpu.enqueue_indirect_dma source(%dma_start3A_57 : memref<32768x64xf32, #tpu.memory_space<hbm>>) target(%arg8 : memref<128x64xf32, #tpu.memory_space<vmem>>) offsets(%dma_start3A_54 : memref<128xi32, #tpu.memory_space<vmem>>) semaphore(%arg12 : memref<!tpu.dma_semaphore, #tpu.memory_space<semaphore_mem>>)
    %sub3A_58 = arith.constant 0 : i32
    %sub3A_59 = arith.subi %select_n3A, %sub3A_58 : i32
    %sub3A_60 = arith.constant 1 : i32
    %sub3A_61 = arith.constant 1 : i32
    %sub3A_62 = arith.subi %sub3A_60, %sub3A_61 : i32
    %add3A_63 = arith.addi %sub3A_59, %sub3A_62 : i32
    %div3A = arith.constant 1 : i32
    %div3A_64 = arith.divsi %add3A_63, %div3A : i32
    %while3A = arith.constant 1 : i32
    %while3A_65 = arith.constant 0 : i32
    %while3A_66 = arith.constant 0 : i32
    %while3A_67 = arith.subi %div3A_64, %while3A_66 : i32
    %while3A_68 = arith.addi %while3A_66, %while3A_67 : i32
    %while3A_69 = arith.constant 1 : i32
    %while3A_70 = arith.divsi %while3A_67, %while3A_69 : i32
    %while3A_71 = arith.muli %while3A_70, %while3A_69 : i32
    %while3A_72 = arith.addi %while3A_66, %while3A_71 : i32
    %while3A_73 = arith.constant 1 : i32
    scf.for %while3A_118 = %while3A_66 to %while3A_72 step %while3A_73  : i32 {
      %mul3A_119 = arith.muli %while3A_118, %while3A : i32
      %add3A_120 = arith.addi %while3A_65, %mul3A_119 : i32
      %jit3A_121 = arith.constant 2 : i32
      %eq3A_122 = arith.constant 0 : i32
      %eq3A_123 = arith.cmpi eq, %jit3A_121, %eq3A_122 : i32
      %jit3A_124 = arith.constant 1 : i32
      %select_n3A_125 = arith.select %eq3A_123, %jit3A_124, %jit3A_121 : i32
      %rem3A_126 = arith.remsi %add3A_120, %select_n3A_125 : i32
      %ne3A_127 = arith.constant 0 : i32
      %ne3A_128 = arith.cmpi ne, %rem3A_126, %ne3A_127 : i32
      %lt3A_129 = arith.constant 0 : i32
      %lt3A_130 = arith.cmpi slt, %rem3A_126, %lt3A_129 : i32
      %lt3A_131 = arith.constant 0 : i32
      %lt3A_132 = arith.cmpi slt, %select_n3A_125, %lt3A_131 : i32
      %ne3A_133 = arith.xori %lt3A_130, %lt3A_132 : i1
      %and3A_134 = arith.andi %ne3A_133, %ne3A_128 : i1
      %add3A_135 = arith.addi %rem3A_126, %select_n3A_125 : i32
      %select_n3A_136 = arith.select %and3A_134, %add3A_135, %rem3A_126 : i32
      %eq3A_137 = arith.constant 0 : i32
      %eq3A_138 = arith.cmpi eq, %select_n3A_136, %eq3A_137 : i32
      %convert_element_type3A_139 = arith.extui %eq3A_138 : i1 to i32
      %cond3A_140 = arith.constant 0 : i32
      %cond3A_141 = arith.cmpi ne, %convert_element_type3A_139, %cond3A_140 : i32
      scf.if %cond3A_141 {
        %add3A_146 = arith.constant 1 : i32
        %add3A_147 = arith.addi %add3A_120, %add3A_146 : i32
        %mul3A_148 = arith.constant 128 : i32
        %mul3A_149 = arith.muli %add3A_147, %mul3A_148 : i32
        %min3A = arith.minsi %mul3A_149, %mul3A_52 : i32
        %dma_start3A_150 = tpu.memref_slice %arg6[%min3A] : memref<12544xi32, #tpu.memory_space<vmem>> -> memref<128xi32, #tpu.memory_space<vmem>>
        %dma_start3A_151 = arith.constant 0 : i32
        %dma_start3A_152 = arith.constant 0 : i32
        %dma_start3A_153 = tpu.memref_slice %arg2[%dma_start3A_151, %dma_start3A_152] : memref<32768x64xf32, #tpu.memory_space<hbm>> -> memref<32768x64xf32, #tpu.memory_space<hbm>>
        tpu.enqueue_indirect_dma source(%dma_start3A_153 : memref<32768x64xf32, #tpu.memory_space<hbm>>) target(%arg9 : memref<128x64xf32, #tpu.memory_space<vmem>>) offsets(%dma_start3A_150 : memref<128xi32, #tpu.memory_space<vmem>>) semaphore(%arg13 : memref<!tpu.dma_semaphore, #tpu.memory_space<semaphore_mem>>)
        %dma_wait3A_154 = arith.constant 0 : i32
        %dma_wait3A_155 = tpu.memref_slice %arg6[%dma_wait3A_154] : memref<12544xi32, #tpu.memory_space<vmem>> -> memref<128xi32, #tpu.memory_space<vmem>>
        %dma_wait3A_156 = arith.constant 0 : i32
        %dma_wait3A_157 = arith.constant 0 : i32
        %dma_wait3A_158 = tpu.memref_slice %arg2[%dma_wait3A_156, %dma_wait3A_157] : memref<32768x64xf32, #tpu.memory_space<hbm>> -> memref<32768x64xf32, #tpu.memory_space<hbm>>
        tpu.wait_indirect_dma semaphore(%arg12 : memref<!tpu.dma_semaphore, #tpu.memory_space<semaphore_mem>>) src(%dma_wait3A_158 : memref<32768x64xf32, #tpu.memory_space<hbm>>) dst(%arg8 : memref<128x64xf32, #tpu.memory_space<vmem>>)
        %mul3A_159 = arith.constant 128 : i32
        %mul3A_160 = arith.muli %add3A_120, %mul3A_159 : i32
        "tpu.region"() ({
          %run_scoped3A = tpu.sem_alloc : memref<!tpu.dma_semaphore, #tpu.memory_space<semaphore_mem>>
          %dma_start3A_161 = tpu.memref_slice %arg7[%mul3A_160] : memref<12544xi32, #tpu.memory_space<vmem>> -> memref<128xi32, #tpu.memory_space<vmem>>
          %dma_start3A_162 = arith.constant 0 : i32
          %dma_start3A_163 = arith.constant 0 : i32
          %dma_start3A_164 = tpu.memref_slice %arg11[%dma_start3A_162, %dma_start3A_163] : memref<4096x64xf32, #tpu.memory_space<vmem_shared>> -> memref<4096x64xf32, #tpu.memory_space<vmem_shared>>
          tpu.enqueue_indirect_dma source(%arg8 : memref<128x64xf32, #tpu.memory_space<vmem>>) target(%dma_start3A_164 : memref<4096x64xf32, #tpu.memory_space<vmem_shared>>) offsets(%dma_start3A_161 : memref<128xi32, #tpu.memory_space<vmem>>) semaphore(%run_scoped3A : memref<!tpu.dma_semaphore, #tpu.memory_space<semaphore_mem>>) {add = true}
          %dma_wait3A_165 = tpu.memref_slice %arg7[%mul3A_160] : memref<12544xi32, #tpu.memory_space<vmem>> -> memref<128xi32, #tpu.memory_space<vmem>>
          %dma_wait3A_166 = arith.constant 0 : i32
          %dma_wait3A_167 = arith.constant 0 : i32
          %dma_wait3A_168 = tpu.memref_slice %arg11[%dma_wait3A_166, %dma_wait3A_167] : memref<4096x64xf32, #tpu.memory_space<vmem_shared>> -> memref<4096x64xf32, #tpu.memory_space<vmem_shared>>
          tpu.wait_indirect_dma semaphore(%run_scoped3A : memref<!tpu.dma_semaphore, #tpu.memory_space<semaphore_mem>>) src(%arg8 : memref<128x64xf32, #tpu.memory_space<vmem>>) dst(%dma_wait3A_168 : memref<4096x64xf32, #tpu.memory_space<vmem_shared>>)
          tpu.yield
        }) : () -> ()
      } else {
      }
      %not3A = arith.constant true
      %not3A_142 = arith.xori %eq3A_138, %not3A : i1
      %convert_element_type3A_143 = arith.extui %not3A_142 : i1 to i32
      %cond3A_144 = arith.constant 0 : i32
      %cond3A_145 = arith.cmpi ne, %convert_element_type3A_143, %cond3A_144 : i32
      scf.if %cond3A_145 {
        %add3A_146 = arith.constant 1 : i32
        %add3A_147 = arith.addi %add3A_120, %add3A_146 : i32
        %mul3A_148 = arith.constant 128 : i32
        %mul3A_149 = arith.muli %add3A_147, %mul3A_148 : i32
        %min3A = arith.minsi %mul3A_149, %mul3A_52 : i32
        %dma_start3A_150 = tpu.memref_slice %arg6[%min3A] : memref<12544xi32, #tpu.memory_space<vmem>> -> memref<128xi32, #tpu.memory_space<vmem>>
        %dma_start3A_151 = arith.constant 0 : i32
        %dma_start3A_152 = arith.constant 0 : i32
        %dma_start3A_153 = tpu.memref_slice %arg2[%dma_start3A_151, %dma_start3A_152] : memref<32768x64xf32, #tpu.memory_space<hbm>> -> memref<32768x64xf32, #tpu.memory_space<hbm>>
        tpu.enqueue_indirect_dma source(%dma_start3A_153 : memref<32768x64xf32, #tpu.memory_space<hbm>>) target(%arg8 : memref<128x64xf32, #tpu.memory_space<vmem>>) offsets(%dma_start3A_150 : memref<128xi32, #tpu.memory_space<vmem>>) semaphore(%arg12 : memref<!tpu.dma_semaphore, #tpu.memory_space<semaphore_mem>>)
        %dma_wait3A_154 = arith.constant 0 : i32
        %dma_wait3A_155 = tpu.memref_slice %arg6[%dma_wait3A_154] : memref<12544xi32, #tpu.memory_space<vmem>> -> memref<128xi32, #tpu.memory_space<vmem>>
        %dma_wait3A_156 = arith.constant 0 : i32
        %dma_wait3A_157 = arith.constant 0 : i32
        %dma_wait3A_158 = tpu.memref_slice %arg2[%dma_wait3A_156, %dma_wait3A_157] : memref<32768x64xf32, #tpu.memory_space<hbm>> -> memref<32768x64xf32, #tpu.memory_space<hbm>>
        tpu.wait_indirect_dma semaphore(%arg13 : memref<!tpu.dma_semaphore, #tpu.memory_space<semaphore_mem>>) src(%dma_wait3A_158 : memref<32768x64xf32, #tpu.memory_space<hbm>>) dst(%arg9 : memref<128x64xf32, #tpu.memory_space<vmem>>)
        %mul3A_159 = arith.constant 128 : i32
        %mul3A_160 = arith.muli %add3A_120, %mul3A_159 : i32
        "tpu.region"() ({
          %run_scoped3A = tpu.sem_alloc : memref<!tpu.dma_semaphore, #tpu.memory_space<semaphore_mem>>
          %dma_start3A_161 = tpu.memref_slice %arg7[%mul3A_160] : memref<12544xi32, #tpu.memory_space<vmem>> -> memref<128xi32, #tpu.memory_space<vmem>>
          %dma_start3A_162 = arith.constant 0 : i32
          %dma_start3A_163 = arith.constant 0 : i32
          %dma_start3A_164 = tpu.memref_slice %arg11[%dma_start3A_162, %dma_start3A_163] : memref<4096x64xf32, #tpu.memory_space<vmem_shared>> -> memref<4096x64xf32, #tpu.memory_space<vmem_shared>>
          tpu.enqueue_indirect_dma source(%arg9 : memref<128x64xf32, #tpu.memory_space<vmem>>) target(%dma_start3A_164 : memref<4096x64xf32, #tpu.memory_space<vmem_shared>>) offsets(%dma_start3A_161 : memref<128xi32, #tpu.memory_space<vmem>>) semaphore(%run_scoped3A : memref<!tpu.dma_semaphore, #tpu.memory_space<semaphore_mem>>) {add = true}
          %dma_wait3A_165 = tpu.memref_slice %arg7[%mul3A_160] : memref<12544xi32, #tpu.memory_space<vmem>> -> memref<128xi32, #tpu.memory_space<vmem>>
          %dma_wait3A_166 = arith.constant 0 : i32
          %dma_wait3A_167 = arith.constant 0 : i32
          %dma_wait3A_168 = tpu.memref_slice %arg11[%dma_wait3A_166, %dma_wait3A_167] : memref<4096x64xf32, #tpu.memory_space<vmem_shared>> -> memref<4096x64xf32, #tpu.memory_space<vmem_shared>>
          tpu.wait_indirect_dma semaphore(%run_scoped3A : memref<!tpu.dma_semaphore, #tpu.memory_space<semaphore_mem>>) src(%arg9 : memref<128x64xf32, #tpu.memory_space<vmem>>) dst(%dma_wait3A_168 : memref<4096x64xf32, #tpu.memory_space<vmem_shared>>)
          tpu.yield
        }) : () -> ()
      } else {
      }
    }
    %while3A_74 = arith.constant 1 : i32
    scf.for %while3A_118 = %while3A_72 to %while3A_68 step %while3A_74  : i32 {
      %mul3A_119 = arith.muli %while3A_118, %while3A : i32
      %add3A_120 = arith.addi %while3A_65, %mul3A_119 : i32
      %jit3A_121 = arith.constant 2 : i32
      %eq3A_122 = arith.constant 0 : i32
      %eq3A_123 = arith.cmpi eq, %jit3A_121, %eq3A_122 : i32
      %jit3A_124 = arith.constant 1 : i32
      %select_n3A_125 = arith.select %eq3A_123, %jit3A_124, %jit3A_121 : i32
      %rem3A_126 = arith.remsi %add3A_120, %select_n3A_125 : i32
      %ne3A_127 = arith.constant 0 : i32
      %ne3A_128 = arith.cmpi ne, %rem3A_126, %ne3A_127 : i32
      %lt3A_129 = arith.constant 0 : i32
      %lt3A_130 = arith.cmpi slt, %rem3A_126, %lt3A_129 : i32
      %lt3A_131 = arith.constant 0 : i32
      %lt3A_132 = arith.cmpi slt, %select_n3A_125, %lt3A_131 : i32
      %ne3A_133 = arith.xori %lt3A_130, %lt3A_132 : i1
      %and3A_134 = arith.andi %ne3A_133, %ne3A_128 : i1
      %add3A_135 = arith.addi %rem3A_126, %select_n3A_125 : i32
      %select_n3A_136 = arith.select %and3A_134, %add3A_135, %rem3A_126 : i32
      %eq3A_137 = arith.constant 0 : i32
      %eq3A_138 = arith.cmpi eq, %select_n3A_136, %eq3A_137 : i32
      %convert_element_type3A_139 = arith.extui %eq3A_138 : i1 to i32
      %cond3A_140 = arith.constant 0 : i32
      %cond3A_141 = arith.cmpi ne, %convert_element_type3A_139, %cond3A_140 : i32
      scf.if %cond3A_141 {
        %add3A_146 = arith.constant 1 : i32
        %add3A_147 = arith.addi %add3A_120, %add3A_146 : i32
        %mul3A_148 = arith.constant 128 : i32
        %mul3A_149 = arith.muli %add3A_147, %mul3A_148 : i32
        %min3A = arith.minsi %mul3A_149, %mul3A_52 : i32
        %dma_start3A_150 = tpu.memref_slice %arg6[%min3A] : memref<12544xi32, #tpu.memory_space<vmem>> -> memref<128xi32, #tpu.memory_space<vmem>>
        %dma_start3A_151 = arith.constant 0 : i32
        %dma_start3A_152 = arith.constant 0 : i32
        %dma_start3A_153 = tpu.memref_slice %arg2[%dma_start3A_151, %dma_start3A_152] : memref<32768x64xf32, #tpu.memory_space<hbm>> -> memref<32768x64xf32, #tpu.memory_space<hbm>>
        tpu.enqueue_indirect_dma source(%dma_start3A_153 : memref<32768x64xf32, #tpu.memory_space<hbm>>) target(%arg9 : memref<128x64xf32, #tpu.memory_space<vmem>>) offsets(%dma_start3A_150 : memref<128xi32, #tpu.memory_space<vmem>>) semaphore(%arg13 : memref<!tpu.dma_semaphore, #tpu.memory_space<semaphore_mem>>)
        %dma_wait3A_154 = arith.constant 0 : i32
        %dma_wait3A_155 = tpu.memref_slice %arg6[%dma_wait3A_154] : memref<12544xi32, #tpu.memory_space<vmem>> -> memref<128xi32, #tpu.memory_space<vmem>>
        %dma_wait3A_156 = arith.constant 0 : i32
        %dma_wait3A_157 = arith.constant 0 : i32
        %dma_wait3A_158 = tpu.memref_slice %arg2[%dma_wait3A_156, %dma_wait3A_157] : memref<32768x64xf32, #tpu.memory_space<hbm>> -> memref<32768x64xf32, #tpu.memory_space<hbm>>
        tpu.wait_indirect_dma semaphore(%arg12 : memref<!tpu.dma_semaphore, #tpu.memory_space<semaphore_mem>>) src(%dma_wait3A_158 : memref<32768x64xf32, #tpu.memory_space<hbm>>) dst(%arg8 : memref<128x64xf32, #tpu.memory_space<vmem>>)
        %mul3A_159 = arith.constant 128 : i32
        %mul3A_160 = arith.muli %add3A_120, %mul3A_159 : i32
        "tpu.region"() ({
          %run_scoped3A = tpu.sem_alloc : memref<!tpu.dma_semaphore, #tpu.memory_space<semaphore_mem>>
          %dma_start3A_161 = tpu.memref_slice %arg7[%mul3A_160] : memref<12544xi32, #tpu.memory_space<vmem>> -> memref<128xi32, #tpu.memory_space<vmem>>
          %dma_start3A_162 = arith.constant 0 : i32
          %dma_start3A_163 = arith.constant 0 : i32
          %dma_start3A_164 = tpu.memref_slice %arg11[%dma_start3A_162, %dma_start3A_163] : memref<4096x64xf32, #tpu.memory_space<vmem_shared>> -> memref<4096x64xf32, #tpu.memory_space<vmem_shared>>
          tpu.enqueue_indirect_dma source(%arg8 : memref<128x64xf32, #tpu.memory_space<vmem>>) target(%dma_start3A_164 : memref<4096x64xf32, #tpu.memory_space<vmem_shared>>) offsets(%dma_start3A_161 : memref<128xi32, #tpu.memory_space<vmem>>) semaphore(%run_scoped3A : memref<!tpu.dma_semaphore, #tpu.memory_space<semaphore_mem>>) {add = true}
          %dma_wait3A_165 = tpu.memref_slice %arg7[%mul3A_160] : memref<12544xi32, #tpu.memory_space<vmem>> -> memref<128xi32, #tpu.memory_space<vmem>>
          %dma_wait3A_166 = arith.constant 0 : i32
          %dma_wait3A_167 = arith.constant 0 : i32
          %dma_wait3A_168 = tpu.memref_slice %arg11[%dma_wait3A_166, %dma_wait3A_167] : memref<4096x64xf32, #tpu.memory_space<vmem_shared>> -> memref<4096x64xf32, #tpu.memory_space<vmem_shared>>
          tpu.wait_indirect_dma semaphore(%run_scoped3A : memref<!tpu.dma_semaphore, #tpu.memory_space<semaphore_mem>>) src(%arg8 : memref<128x64xf32, #tpu.memory_space<vmem>>) dst(%dma_wait3A_168 : memref<4096x64xf32, #tpu.memory_space<vmem_shared>>)
          tpu.yield
        }) : () -> ()
      } else {
      }
      %not3A = arith.constant true
      %not3A_142 = arith.xori %eq3A_138, %not3A : i1
      %convert_element_type3A_143 = arith.extui %not3A_142 : i1 to i32
      %cond3A_144 = arith.constant 0 : i32
      %cond3A_145 = arith.cmpi ne, %convert_element_type3A_143, %cond3A_144 : i32
      scf.if %cond3A_145 {
        %add3A_146 = arith.constant 1 : i32
        %add3A_147 = arith.addi %add3A_120, %add3A_146 : i32
        %mul3A_148 = arith.constant 128 : i32
        %mul3A_149 = arith.muli %add3A_147, %mul3A_148 : i32
        %min3A = arith.minsi %mul3A_149, %mul3A_52 : i32
        %dma_start3A_150 = tpu.memref_slice %arg6[%min3A] : memref<12544xi32, #tpu.memory_space<vmem>> -> memref<128xi32, #tpu.memory_space<vmem>>
        %dma_start3A_151 = arith.constant 0 : i32
        %dma_start3A_152 = arith.constant 0 : i32
        %dma_start3A_153 = tpu.memref_slice %arg2[%dma_start3A_151, %dma_start3A_152] : memref<32768x64xf32, #tpu.memory_space<hbm>> -> memref<32768x64xf32, #tpu.memory_space<hbm>>
        tpu.enqueue_indirect_dma source(%dma_start3A_153 : memref<32768x64xf32, #tpu.memory_space<hbm>>) target(%arg8 : memref<128x64xf32, #tpu.memory_space<vmem>>) offsets(%dma_start3A_150 : memref<128xi32, #tpu.memory_space<vmem>>) semaphore(%arg12 : memref<!tpu.dma_semaphore, #tpu.memory_space<semaphore_mem>>)
        %dma_wait3A_154 = arith.constant 0 : i32
        %dma_wait3A_155 = tpu.memref_slice %arg6[%dma_wait3A_154] : memref<12544xi32, #tpu.memory_space<vmem>> -> memref<128xi32, #tpu.memory_space<vmem>>
        %dma_wait3A_156 = arith.constant 0 : i32
        %dma_wait3A_157 = arith.constant 0 : i32
        %dma_wait3A_158 = tpu.memref_slice %arg2[%dma_wait3A_156, %dma_wait3A_157] : memref<32768x64xf32, #tpu.memory_space<hbm>> -> memref<32768x64xf32, #tpu.memory_space<hbm>>
        tpu.wait_indirect_dma semaphore(%arg13 : memref<!tpu.dma_semaphore, #tpu.memory_space<semaphore_mem>>) src(%dma_wait3A_158 : memref<32768x64xf32, #tpu.memory_space<hbm>>) dst(%arg9 : memref<128x64xf32, #tpu.memory_space<vmem>>)
        %mul3A_159 = arith.constant 128 : i32
        %mul3A_160 = arith.muli %add3A_120, %mul3A_159 : i32
        "tpu.region"() ({
          %run_scoped3A = tpu.sem_alloc : memref<!tpu.dma_semaphore, #tpu.memory_space<semaphore_mem>>
          %dma_start3A_161 = tpu.memref_slice %arg7[%mul3A_160] : memref<12544xi32, #tpu.memory_space<vmem>> -> memref<128xi32, #tpu.memory_space<vmem>>
          %dma_start3A_162 = arith.constant 0 : i32
          %dma_start3A_163 = arith.constant 0 : i32
          %dma_start3A_164 = tpu.memref_slice %arg11[%dma_start3A_162, %dma_start3A_163] : memref<4096x64xf32, #tpu.memory_space<vmem_shared>> -> memref<4096x64xf32, #tpu.memory_space<vmem_shared>>
          tpu.enqueue_indirect_dma source(%arg9 : memref<128x64xf32, #tpu.memory_space<vmem>>) target(%dma_start3A_164 : memref<4096x64xf32, #tpu.memory_space<vmem_shared>>) offsets(%dma_start3A_161 : memref<128xi32, #tpu.memory_space<vmem>>) semaphore(%run_scoped3A : memref<!tpu.dma_semaphore, #tpu.memory_space<semaphore_mem>>) {add = true}
          %dma_wait3A_165 = tpu.memref_slice %arg7[%mul3A_160] : memref<12544xi32, #tpu.memory_space<vmem>> -> memref<128xi32, #tpu.memory_space<vmem>>
          %dma_wait3A_166 = arith.constant 0 : i32
          %dma_wait3A_167 = arith.constant 0 : i32
          %dma_wait3A_168 = tpu.memref_slice %arg11[%dma_wait3A_166, %dma_wait3A_167] : memref<4096x64xf32, #tpu.memory_space<vmem_shared>> -> memref<4096x64xf32, #tpu.memory_space<vmem_shared>>
          tpu.wait_indirect_dma semaphore(%run_scoped3A : memref<!tpu.dma_semaphore, #tpu.memory_space<semaphore_mem>>) src(%arg9 : memref<128x64xf32, #tpu.memory_space<vmem>>) dst(%dma_wait3A_168 : memref<4096x64xf32, #tpu.memory_space<vmem_shared>>)
          tpu.yield
        }) : () -> ()
      } else {
      }
    }
    %jit3A_75 = arith.constant 2 : i32
    %eq3A = arith.constant 0 : i32
    %eq3A_76 = arith.cmpi eq, %jit3A_75, %eq3A : i32
    %jit3A_77 = arith.constant 1 : i32
    %select_n3A_78 = arith.select %eq3A_76, %jit3A_77, %jit3A_75 : i32
    %rem3A = arith.remsi %select_n3A, %select_n3A_78 : i32
    %ne3A = arith.constant 0 : i32
    %ne3A_79 = arith.cmpi ne, %rem3A, %ne3A : i32
    %lt3A_80 = arith.constant 0 : i32
    %lt3A_81 = arith.cmpi slt, %rem3A, %lt3A_80 : i32
    %lt3A_82 = arith.constant 0 : i32
    %lt3A_83 = arith.cmpi slt, %select_n3A_78, %lt3A_82 : i32
    %ne3A_84 = arith.xori %lt3A_81, %lt3A_83 : i1
    %and3A = arith.andi %ne3A_84, %ne3A_79 : i1
    %add3A_85 = arith.addi %rem3A, %select_n3A_78 : i32
    %select_n3A_86 = arith.select %and3A, %add3A_85, %rem3A : i32
    %eq3A_87 = arith.constant 1 : i32
    %eq3A_88 = arith.cmpi eq, %select_n3A_86, %eq3A_87 : i32
    %convert_element_type3A_89 = arith.extui %eq3A_88 : i1 to i32
    %cond3A_90 = arith.constant 0 : i32
    %cond3A_91 = arith.cmpi ne, %convert_element_type3A_89, %cond3A_90 : i32
    scf.if %cond3A_91 {
      %dma_wait3A_118 = arith.constant 0 : i32
      %dma_wait3A_119 = tpu.memref_slice %arg6[%dma_wait3A_118] : memref<12544xi32, #tpu.memory_space<vmem>> -> memref<128xi32, #tpu.memory_space<vmem>>
      %dma_wait3A_120 = arith.constant 0 : i32
      %dma_wait3A_121 = arith.constant 0 : i32
      %dma_wait3A_122 = tpu.memref_slice %arg2[%dma_wait3A_120, %dma_wait3A_121] : memref<32768x64xf32, #tpu.memory_space<hbm>> -> memref<32768x64xf32, #tpu.memory_space<hbm>>
      tpu.wait_indirect_dma semaphore(%arg13 : memref<!tpu.dma_semaphore, #tpu.memory_space<semaphore_mem>>) src(%dma_wait3A_122 : memref<32768x64xf32, #tpu.memory_space<hbm>>) dst(%arg9 : memref<128x64xf32, #tpu.memory_space<vmem>>)
    } else {
    }
    %jit3A_92 = arith.constant 2 : i32
    %eq3A_93 = arith.constant 0 : i32
    %eq3A_94 = arith.cmpi eq, %jit3A_92, %eq3A_93 : i32
    %jit3A_95 = arith.constant 1 : i32
    %select_n3A_96 = arith.select %eq3A_94, %jit3A_95, %jit3A_92 : i32
    %rem3A_97 = arith.remsi %select_n3A, %select_n3A_96 : i32
    %ne3A_98 = arith.constant 0 : i32
    %ne3A_99 = arith.cmpi ne, %rem3A_97, %ne3A_98 : i32
    %lt3A_100 = arith.constant 0 : i32
    %lt3A_101 = arith.cmpi slt, %rem3A_97, %lt3A_100 : i32
    %lt3A_102 = arith.constant 0 : i32
    %lt3A_103 = arith.cmpi slt, %select_n3A_96, %lt3A_102 : i32
    %ne3A_104 = arith.xori %lt3A_101, %lt3A_103 : i1
    %and3A_105 = arith.andi %ne3A_104, %ne3A_99 : i1
    %add3A_106 = arith.addi %rem3A_97, %select_n3A_96 : i32
    %select_n3A_107 = arith.select %and3A_105, %add3A_106, %rem3A_97 : i32
    %eq3A_108 = arith.constant 0 : i32
    %eq3A_109 = arith.cmpi eq, %select_n3A_107, %eq3A_108 : i32
    %convert_element_type3A_110 = arith.extui %eq3A_109 : i1 to i32
    %cond3A_111 = arith.constant 0 : i32
    %cond3A_112 = arith.cmpi ne, %convert_element_type3A_110, %cond3A_111 : i32
    scf.if %cond3A_112 {
      %dma_wait3A_118 = arith.constant 0 : i32
      %dma_wait3A_119 = tpu.memref_slice %arg6[%dma_wait3A_118] : memref<12544xi32, #tpu.memory_space<vmem>> -> memref<128xi32, #tpu.memory_space<vmem>>
      %dma_wait3A_120 = arith.constant 0 : i32
      %dma_wait3A_121 = arith.constant 0 : i32
      %dma_wait3A_122 = tpu.memref_slice %arg2[%dma_wait3A_120, %dma_wait3A_121] : memref<32768x64xf32, #tpu.memory_space<hbm>> -> memref<32768x64xf32, #tpu.memory_space<hbm>>
      tpu.wait_indirect_dma semaphore(%arg12 : memref<!tpu.dma_semaphore, #tpu.memory_space<semaphore_mem>>) src(%dma_wait3A_122 : memref<32768x64xf32, #tpu.memory_space<hbm>>) dst(%arg8 : memref<128x64xf32, #tpu.memory_space<vmem>>)
    } else {
    }
    %barrier3A_113 = arith.constant 0 : index
    tpu.barrier barrier_id(%barrier3A_113)
    %mul3A_114 = arith.constant 256 : i32
    %mul3A_115 = arith.muli %arg1, %mul3A_114 : i32
    %mul3A_116 = arith.constant 256 : i32
    %mul3A_117 = arith.muli %arg1, %mul3A_116 : i32
    "tpu.region"() ({
      %run_scoped3A = tpu.sem_alloc : memref<!tpu.dma_semaphore, #tpu.memory_space<semaphore_mem>>
      %dma_start3A_118 = arith.constant 0 : i32
      %dma_start3A_119 = tpu.memref_slice %arg5[%arg0, %mul3A_117, %dma_start3A_118] : memref<2x4096x64xf32, #tpu.memory_space<hbm>> -> memref<1x256x64xf32, #tpu.memory_space<hbm>>
      %dma_start3A_120 = tpu.memref_squeeze %dma_start3A_119 : memref<1x256x64xf32, #tpu.memory_space<hbm>> -> memref<256x64xf32, #tpu.memory_space<hbm>>
      %dma_start3A_121 = arith.constant 0 : i32
      %dma_start3A_122 = tpu.memref_slice %arg11[%mul3A_115, %dma_start3A_121] : memref<4096x64xf32, #tpu.memory_space<vmem_shared>> -> memref<256x64xf32, #tpu.memory_space<vmem_shared>>
      tpu.enqueue_dma source(%dma_start3A_122 : memref<256x64xf32, #tpu.memory_space<vmem_shared>>) target(%dma_start3A_120 : memref<256x64xf32, #tpu.memory_space<hbm>>) target_semaphore(%run_scoped3A : memref<!tpu.dma_semaphore, #tpu.memory_space<semaphore_mem>>)
      %dma_wait3A_123 = arith.constant 0 : i32
      %dma_wait3A_124 = tpu.memref_slice %arg5[%arg0, %mul3A_117, %dma_wait3A_123] : memref<2x4096x64xf32, #tpu.memory_space<hbm>> -> memref<1x256x64xf32, #tpu.memory_space<hbm>>
      %dma_wait3A_125 = tpu.memref_squeeze %dma_wait3A_124 : memref<1x256x64xf32, #tpu.memory_space<hbm>> -> memref<256x64xf32, #tpu.memory_space<hbm>>
      %dma_wait3A_126 = arith.constant 0 : i32
      %dma_wait3A_127 = tpu.memref_slice %arg11[%mul3A_115, %dma_wait3A_126] : memref<4096x64xf32, #tpu.memory_space<vmem_shared>> -> memref<256x64xf32, #tpu.memory_space<vmem_shared>>
      tpu.wait_dma2 semaphore(%run_scoped3A : memref<!tpu.dma_semaphore, #tpu.memory_space<semaphore_mem>>) src(%dma_wait3A_127 : memref<256x64xf32, #tpu.memory_space<vmem_shared>>) dst(%dma_wait3A_125 : memref<256x64xf32, #tpu.memory_space<hbm>>)
      tpu.yield
    }) : () -> ()
    return
  }
}

#map = affine_map<(d0, d1) -> (0, 0)>
#map1 = affine_map<(d0, d1) -> (0)>
#map2 = affine_map<(d0, d1) -> (0, 0, 0)>
module attributes {stable_mosaic.version = 14 : i64} {
  func.func @_sc_scatter_body(%arg0: i32, %arg1: i32, %arg2: memref<32768x64xf32, #tpu.memory_space<hbm>>, %arg3: memref<400000xi32, #tpu.memory_space<hbm>>, %arg4: memref<400000xi32, #tpu.memory_space<hbm>>, %arg5: memref<2x4096x64xf32, #tpu.memory_space<hbm>>, %arg6: memref<12544xi32, #tpu.memory_space<vmem>>, %arg7: memref<12544xi32, #tpu.memory_space<vmem>>, %arg8: memref<128x64xf32, #tpu.memory_space<vmem>>, %arg9: memref<128x64xf32, #tpu.memory_space<vmem>>, %arg10: memref<64x64xf32, #tpu.memory_space<vmem>>, %arg11: memref<4096x64xf32, #tpu.memory_space<vmem_shared>>, %arg12: memref<!tpu.dma_semaphore, #tpu.memory_space<semaphore_mem>>, %arg13: memref<!tpu.dma_semaphore, #tpu.memory_space<semaphore_mem>>) attributes {dimension_semantics = [#tpu.dimension_semantics<core_parallel>, #tpu.dimension_semantics<subcore_parallel>], iteration_bounds = array<i64: 2, 16>, scalar_prefetch = 0 : i64, scratch_operands = 8 : i64, tpu.core_type = #tpu.core_type<sc_vector_subcore>, window_params = [{transform_indices = #map}, {transform_indices = #map1}, {transform_indices = #map1}, {transform_indices = #map2}]} {
    %mul3A = arith.constant 16 : i32
    %mul3A_0 = arith.muli %arg0, %mul3A : i32
    %add3A = arith.addi %mul3A_0, %arg1 : i32
    %mul3A_1 = arith.constant 12544 : i32
    %mul3A_2 = arith.muli %add3A, %mul3A_1 : i32
    %scan3A = arith.constant 0 : i32
    %scan3A_3 = arith.constant 64 : i32
    %scan3A_4 = arith.addi %scan3A, %scan3A_3 : i32
    %scan3A_5 = arith.constant 1 : i32
    scf.for %scan3A_118 = %scan3A to %scan3A_4 step %scan3A_5  : i32 {
      %mul3A_119 = arith.constant 1 : i32
      %mul3A_120 = arith.muli %scan3A_118, %mul3A_119 : i32
      %add3A_121 = arith.constant 0 : i32
      %add3A_122 = arith.addi %add3A_121, %mul3A_120 : i32
      %broadcast_in_dim3A = arith.constant 0.000000e+00 : f32
      %broadcast_in_dim3A_123 = vector.broadcast %broadcast_in_dim3A : f32 to vector<16xf32>
      %swap3A = arith.index_cast %add3A_122 : i32 to index
      %swap3A_124 = arith.constant 0 : index
      %swap3A_125 = tpu.vector_load %arg10[%swap3A, %swap3A_124] {strides = array<i32>} : memref<64x64xf32, #tpu.memory_space<vmem>>, vector<16xf32>,
      tpu.vector_store %arg10[%swap3A, %swap3A_124], %broadcast_in_dim3A_123 {strides = array<i32>} : memref<64x64xf32, #tpu.memory_space<vmem>>, vector<16xf32>,
      %broadcast_in_dim3A_126 = arith.constant 0.000000e+00 : f32
      %broadcast_in_dim3A_127 = vector.broadcast %broadcast_in_dim3A_126 : f32 to vector<16xf32>
      %swap3A_128 = arith.index_cast %add3A_122 : i32 to index
      %swap3A_129 = arith.constant 16 : index
      %swap3A_130 = tpu.vector_load %arg10[%swap3A_128, %swap3A_129] {strides = array<i32>} : memref<64x64xf32, #tpu.memory_space<vmem>>, vector<16xf32>,
      tpu.vector_store %arg10[%swap3A_128, %swap3A_129], %broadcast_in_dim3A_127 {strides = array<i32>} : memref<64x64xf32, #tpu.memory_space<vmem>>, vector<16xf32>,
      %broadcast_in_dim3A_131 = arith.constant 0.000000e+00 : f32
      %broadcast_in_dim3A_132 = vector.broadcast %broadcast_in_dim3A_131 : f32 to vector<16xf32>
      %swap3A_133 = arith.index_cast %add3A_122 : i32 to index
      %swap3A_134 = arith.constant 32 : index
      %swap3A_135 = tpu.vector_load %arg10[%swap3A_133, %swap3A_134] {strides = array<i32>} : memref<64x64xf32, #tpu.memory_space<vmem>>, vector<16xf32>,
      tpu.vector_store %arg10[%swap3A_133, %swap3A_134], %broadcast_in_dim3A_132 {strides = array<i32>} : memref<64x64xf32, #tpu.memory_space<vmem>>, vector<16xf32>,
      %broadcast_in_dim3A_136 = arith.constant 0.000000e+00 : f32
      %broadcast_in_dim3A_137 = vector.broadcast %broadcast_in_dim3A_136 : f32 to vector<16xf32>
      %swap3A_138 = arith.index_cast %add3A_122 : i32 to index
      %swap3A_139 = arith.constant 48 : index
      %swap3A_140 = tpu.vector_load %arg10[%swap3A_138, %swap3A_139] {strides = array<i32>} : memref<64x64xf32, #tpu.memory_space<vmem>>, vector<16xf32>,
      tpu.vector_store %arg10[%swap3A_138, %swap3A_139], %broadcast_in_dim3A_137 {strides = array<i32>} : memref<64x64xf32, #tpu.memory_space<vmem>>, vector<16xf32>,
    }
    %scan3A_6 = arith.constant 64 : i32
    %mul3A_7 = arith.constant 256 : i32
    %mul3A_8 = arith.muli %arg1, %mul3A_7 : i32
    %add3A_9 = arith.constant 0 : i32
    %add3A_10 = arith.addi %mul3A_8, %add3A_9 : i32
    "tpu.region"() ({
      %run_scoped3A = tpu.sem_alloc : memref<!tpu.dma_semaphore, #tpu.memory_space<semaphore_mem>>
      %dma_start3A_118 = arith.constant 0 : i32
      %dma_start3A_119 = tpu.memref_slice %arg11[%add3A_10, %dma_start3A_118] : memref<4096x64xf32, #tpu.memory_space<vmem_shared>> -> memref<64x64xf32, #tpu.memory_space<vmem_shared>>
      %dma_start3A_120 = arith.constant 0 : i32
      %dma_start3A_121 = tpu.memref_slice %arg11[%add3A_10, %dma_start3A_120] : memref<4096x64xf32, #tpu.memory_space<vmem_shared>> -> memref<64x64xf32, #tpu.memory_space<vmem_shared>>
      tpu.enqueue_dma source(%arg10 : memref<64x64xf32, #tpu.memory_space<vmem>>) target(%dma_start3A_121 : memref<64x64xf32, #tpu.memory_space<vmem_shared>>) target_semaphore(%run_scoped3A : memref<!tpu.dma_semaphore, #tpu.memory_space<semaphore_mem>>)
      %dma_wait3A_122 = arith.constant 0 : i32
      %dma_wait3A_123 = tpu.memref_slice %arg11[%add3A_10, %dma_wait3A_122] : memref<4096x64xf32, #tpu.memory_space<vmem_shared>> -> memref<64x64xf32, #tpu.memory_space<vmem_shared>>
      %dma_wait3A_124 = arith.constant 0 : i32
      %dma_wait3A_125 = tpu.memref_slice %arg11[%add3A_10, %dma_wait3A_124] : memref<4096x64xf32, #tpu.memory_space<vmem_shared>> -> memref<64x64xf32, #tpu.memory_space<vmem_shared>>
      tpu.wait_dma2 semaphore(%run_scoped3A : memref<!tpu.dma_semaphore, #tpu.memory_space<semaphore_mem>>) src(%arg10 : memref<64x64xf32, #tpu.memory_space<vmem>>) dst(%dma_wait3A_125 : memref<64x64xf32, #tpu.memory_space<vmem_shared>>)
      tpu.yield
    }) : () -> ()
    %mul3A_11 = arith.constant 256 : i32
    %mul3A_12 = arith.muli %arg1, %mul3A_11 : i32
    %add3A_13 = arith.constant 64 : i32
    %add3A_14 = arith.addi %mul3A_12, %add3A_13 : i32
    "tpu.region"() ({
      %run_scoped3A = tpu.sem_alloc : memref<!tpu.dma_semaphore, #tpu.memory_space<semaphore_mem>>
      %dma_start3A_118 = arith.constant 0 : i32
      %dma_start3A_119 = tpu.memref_slice %arg11[%add3A_14, %dma_start3A_118] : memref<4096x64xf32, #tpu.memory_space<vmem_shared>> -> memref<64x64xf32, #tpu.memory_space<vmem_shared>>
      %dma_start3A_120 = arith.constant 0 : i32
      %dma_start3A_121 = tpu.memref_slice %arg11[%add3A_14, %dma_start3A_120] : memref<4096x64xf32, #tpu.memory_space<vmem_shared>> -> memref<64x64xf32, #tpu.memory_space<vmem_shared>>
      tpu.enqueue_dma source(%arg10 : memref<64x64xf32, #tpu.memory_space<vmem>>) target(%dma_start3A_121 : memref<64x64xf32, #tpu.memory_space<vmem_shared>>) target_semaphore(%run_scoped3A : memref<!tpu.dma_semaphore, #tpu.memory_space<semaphore_mem>>)
      %dma_wait3A_122 = arith.constant 0 : i32
      %dma_wait3A_123 = tpu.memref_slice %arg11[%add3A_14, %dma_wait3A_122] : memref<4096x64xf32, #tpu.memory_space<vmem_shared>> -> memref<64x64xf32, #tpu.memory_space<vmem_shared>>
      %dma_wait3A_124 = arith.constant 0 : i32
      %dma_wait3A_125 = tpu.memref_slice %arg11[%add3A_14, %dma_wait3A_124] : memref<4096x64xf32, #tpu.memory_space<vmem_shared>> -> memref<64x64xf32, #tpu.memory_space<vmem_shared>>
      tpu.wait_dma2 semaphore(%run_scoped3A : memref<!tpu.dma_semaphore, #tpu.memory_space<semaphore_mem>>) src(%arg10 : memref<64x64xf32, #tpu.memory_space<vmem>>) dst(%dma_wait3A_125 : memref<64x64xf32, #tpu.memory_space<vmem_shared>>)
      tpu.yield
    }) : () -> ()
    %mul3A_15 = arith.constant 256 : i32
    %mul3A_16 = arith.muli %arg1, %mul3A_15 : i32
    %add3A_17 = arith.constant 128 : i32
    %add3A_18 = arith.addi %mul3A_16, %add3A_17 : i32
    "tpu.region"() ({
      %run_scoped3A = tpu.sem_alloc : memref<!tpu.dma_semaphore, #tpu.memory_space<semaphore_mem>>
      %dma_start3A_118 = arith.constant 0 : i32
      %dma_start3A_119 = tpu.memref_slice %arg11[%add3A_18, %dma_start3A_118] : memref<4096x64xf32, #tpu.memory_space<vmem_shared>> -> memref<64x64xf32, #tpu.memory_space<vmem_shared>>
      %dma_start3A_120 = arith.constant 0 : i32
      %dma_start3A_121 = tpu.memref_slice %arg11[%add3A_18, %dma_start3A_120] : memref<4096x64xf32, #tpu.memory_space<vmem_shared>> -> memref<64x64xf32, #tpu.memory_space<vmem_shared>>
      tpu.enqueue_dma source(%arg10 : memref<64x64xf32, #tpu.memory_space<vmem>>) target(%dma_start3A_121 : memref<64x64xf32, #tpu.memory_space<vmem_shared>>) target_semaphore(%run_scoped3A : memref<!tpu.dma_semaphore, #tpu.memory_space<semaphore_mem>>)
      %dma_wait3A_122 = arith.constant 0 : i32
      %dma_wait3A_123 = tpu.memref_slice %arg11[%add3A_18, %dma_wait3A_122] : memref<4096x64xf32, #tpu.memory_space<vmem_shared>> -> memref<64x64xf32, #tpu.memory_space<vmem_shared>>
      %dma_wait3A_124 = arith.constant 0 : i32
      %dma_wait3A_125 = tpu.memref_slice %arg11[%add3A_18, %dma_wait3A_124] : memref<4096x64xf32, #tpu.memory_space<vmem_shared>> -> memref<64x64xf32, #tpu.memory_space<vmem_shared>>
      tpu.wait_dma2 semaphore(%run_scoped3A : memref<!tpu.dma_semaphore, #tpu.memory_space<semaphore_mem>>) src(%arg10 : memref<64x64xf32, #tpu.memory_space<vmem>>) dst(%dma_wait3A_125 : memref<64x64xf32, #tpu.memory_space<vmem_shared>>)
      tpu.yield
    }) : () -> ()
    %mul3A_19 = arith.constant 256 : i32
    %mul3A_20 = arith.muli %arg1, %mul3A_19 : i32
    %add3A_21 = arith.constant 192 : i32
    %add3A_22 = arith.addi %mul3A_20, %add3A_21 : i32
    "tpu.region"() ({
      %run_scoped3A = tpu.sem_alloc : memref<!tpu.dma_semaphore, #tpu.memory_space<semaphore_mem>>
      %dma_start3A_118 = arith.constant 0 : i32
      %dma_start3A_119 = tpu.memref_slice %arg11[%add3A_22, %dma_start3A_118] : memref<4096x64xf32, #tpu.memory_space<vmem_shared>> -> memref<64x64xf32, #tpu.memory_space<vmem_shared>>
      %dma_start3A_120 = arith.constant 0 : i32
      %dma_start3A_121 = tpu.memref_slice %arg11[%add3A_22, %dma_start3A_120] : memref<4096x64xf32, #tpu.memory_space<vmem_shared>> -> memref<64x64xf32, #tpu.memory_space<vmem_shared>>
      tpu.enqueue_dma source(%arg10 : memref<64x64xf32, #tpu.memory_space<vmem>>) target(%dma_start3A_121 : memref<64x64xf32, #tpu.memory_space<vmem_shared>>) target_semaphore(%run_scoped3A : memref<!tpu.dma_semaphore, #tpu.memory_space<semaphore_mem>>)
      %dma_wait3A_122 = arith.constant 0 : i32
      %dma_wait3A_123 = tpu.memref_slice %arg11[%add3A_22, %dma_wait3A_122] : memref<4096x64xf32, #tpu.memory_space<vmem_shared>> -> memref<64x64xf32, #tpu.memory_space<vmem_shared>>
      %dma_wait3A_124 = arith.constant 0 : i32
      %dma_wait3A_125 = tpu.memref_slice %arg11[%add3A_22, %dma_wait3A_124] : memref<4096x64xf32, #tpu.memory_space<vmem_shared>> -> memref<64x64xf32, #tpu.memory_space<vmem_shared>>
      tpu.wait_dma2 semaphore(%run_scoped3A : memref<!tpu.dma_semaphore, #tpu.memory_space<semaphore_mem>>) src(%arg10 : memref<64x64xf32, #tpu.memory_space<vmem>>) dst(%dma_wait3A_125 : memref<64x64xf32, #tpu.memory_space<vmem_shared>>)
      tpu.yield
    }) : () -> ()
    %dma_start3A = arith.constant 0 : i32
    %dma_start3A_23 = tpu.memref_slice %arg6[%dma_start3A] : memref<12544xi32, #tpu.memory_space<vmem>> -> memref<11136xi32, #tpu.memory_space<vmem>>
    %dma_start3A_24 = tpu.memref_slice %arg3[%mul3A_2] : memref<400000xi32, #tpu.memory_space<hbm>> -> memref<11136xi32, #tpu.memory_space<hbm>>
    %dma_start3A_25 = arith.constant 0 : i32
    %dma_start3A_26 = tpu.memref_slice %arg6[%dma_start3A_25] : memref<12544xi32, #tpu.memory_space<vmem>> -> memref<11136xi32, #tpu.memory_space<vmem>>
    %dma_start3A_27 = tpu.memref_slice %arg3[%mul3A_2] : memref<400000xi32, #tpu.memory_space<hbm>> -> memref<11136xi32, #tpu.memory_space<hbm>>
    tpu.enqueue_dma source(%dma_start3A_27 : memref<11136xi32, #tpu.memory_space<hbm>>) target(%dma_start3A_26 : memref<11136xi32, #tpu.memory_space<vmem>>) target_semaphore(%arg12 : memref<!tpu.dma_semaphore, #tpu.memory_space<semaphore_mem>>)
    %dma_start3A_28 = arith.constant 0 : i32
    %dma_start3A_29 = tpu.memref_slice %arg7[%dma_start3A_28] : memref<12544xi32, #tpu.memory_space<vmem>> -> memref<11136xi32, #tpu.memory_space<vmem>>
    %dma_start3A_30 = tpu.memref_slice %arg4[%mul3A_2] : memref<400000xi32, #tpu.memory_space<hbm>> -> memref<11136xi32, #tpu.memory_space<hbm>>
    %dma_start3A_31 = arith.constant 0 : i32
    %dma_start3A_32 = tpu.memref_slice %arg7[%dma_start3A_31] : memref<12544xi32, #tpu.memory_space<vmem>> -> memref<11136xi32, #tpu.memory_space<vmem>>
    %dma_start3A_33 = tpu.memref_slice %arg4[%mul3A_2] : memref<400000xi32, #tpu.memory_space<hbm>> -> memref<11136xi32, #tpu.memory_space<hbm>>
    tpu.enqueue_dma source(%dma_start3A_33 : memref<11136xi32, #tpu.memory_space<hbm>>) target(%dma_start3A_32 : memref<11136xi32, #tpu.memory_space<vmem>>) target_semaphore(%arg13 : memref<!tpu.dma_semaphore, #tpu.memory_space<semaphore_mem>>)
    %lt3A = arith.constant 31 : i32
    %lt3A_34 = arith.cmpi slt, %add3A, %lt3A : i32
    %convert_element_type3A = arith.extui %lt3A_34 : i1 to i32
    %cond3A = arith.constant 0 : i32
    %cond3A_35 = arith.cmpi ne, %convert_element_type3A, %cond3A : i32
    scf.if %cond3A_35 {
      %add3A_118 = arith.constant 11136 : i32
      %add3A_119 = arith.addi %mul3A_2, %add3A_118 : i32
      %dma_start3A_120 = arith.constant 11136 : i32
      %dma_start3A_121 = tpu.memref_slice %arg6[%dma_start3A_120] : memref<12544xi32, #tpu.memory_space<vmem>> -> memref<1408xi32, #tpu.memory_space<vmem>>
      %dma_start3A_122 = tpu.memref_slice %arg3[%add3A_119] : memref<400000xi32, #tpu.memory_space<hbm>> -> memref<1408xi32, #tpu.memory_space<hbm>>
      %dma_start3A_123 = arith.constant 11136 : i32
      %dma_start3A_124 = tpu.memref_slice %arg6[%dma_start3A_123] : memref<12544xi32, #tpu.memory_space<vmem>> -> memref<1408xi32, #tpu.memory_space<vmem>>
      %dma_start3A_125 = tpu.memref_slice %arg3[%add3A_119] : memref<400000xi32, #tpu.memory_space<hbm>> -> memref<1408xi32, #tpu.memory_space<hbm>>
      tpu.enqueue_dma source(%dma_start3A_125 : memref<1408xi32, #tpu.memory_space<hbm>>) target(%dma_start3A_124 : memref<1408xi32, #tpu.memory_space<vmem>>) target_semaphore(%arg12 : memref<!tpu.dma_semaphore, #tpu.memory_space<semaphore_mem>>)
      %add3A_126 = arith.constant 11136 : i32
      %add3A_127 = arith.addi %mul3A_2, %add3A_126 : i32
      %dma_start3A_128 = arith.constant 11136 : i32
      %dma_start3A_129 = tpu.memref_slice %arg7[%dma_start3A_128] : memref<12544xi32, #tpu.memory_space<vmem>> -> memref<1408xi32, #tpu.memory_space<vmem>>
      %dma_start3A_130 = tpu.memref_slice %arg4[%add3A_127] : memref<400000xi32, #tpu.memory_space<hbm>> -> memref<1408xi32, #tpu.memory_space<hbm>>
      %dma_start3A_131 = arith.constant 11136 : i32
      %dma_start3A_132 = tpu.memref_slice %arg7[%dma_start3A_131] : memref<12544xi32, #tpu.memory_space<vmem>> -> memref<1408xi32, #tpu.memory_space<vmem>>
      %dma_start3A_133 = tpu.memref_slice %arg4[%add3A_127] : memref<400000xi32, #tpu.memory_space<hbm>> -> memref<1408xi32, #tpu.memory_space<hbm>>
      tpu.enqueue_dma source(%dma_start3A_133 : memref<1408xi32, #tpu.memory_space<hbm>>) target(%dma_start3A_132 : memref<1408xi32, #tpu.memory_space<vmem>>) target_semaphore(%arg13 : memref<!tpu.dma_semaphore, #tpu.memory_space<semaphore_mem>>)
      %add3A_134 = arith.constant 11136 : i32
      %add3A_135 = arith.addi %mul3A_2, %add3A_134 : i32
      %dma_wait3A_136 = arith.constant 11136 : i32
      %dma_wait3A_137 = tpu.memref_slice %arg6[%dma_wait3A_136] : memref<12544xi32, #tpu.memory_space<vmem>> -> memref<1408xi32, #tpu.memory_space<vmem>>
      %dma_wait3A_138 = tpu.memref_slice %arg3[%add3A_135] : memref<400000xi32, #tpu.memory_space<hbm>> -> memref<1408xi32, #tpu.memory_space<hbm>>
      %dma_wait3A_139 = arith.constant 11136 : i32
      %dma_wait3A_140 = tpu.memref_slice %arg6[%dma_wait3A_139] : memref<12544xi32, #tpu.memory_space<vmem>> -> memref<1408xi32, #tpu.memory_space<vmem>>
      %dma_wait3A_141 = tpu.memref_slice %arg3[%add3A_135] : memref<400000xi32, #tpu.memory_space<hbm>> -> memref<1408xi32, #tpu.memory_space<hbm>>
      tpu.wait_dma2 semaphore(%arg12 : memref<!tpu.dma_semaphore, #tpu.memory_space<semaphore_mem>>) src(%dma_wait3A_141 : memref<1408xi32, #tpu.memory_space<hbm>>) dst(%dma_wait3A_140 : memref<1408xi32, #tpu.memory_space<vmem>>)
      %add3A_142 = arith.constant 11136 : i32
      %add3A_143 = arith.addi %mul3A_2, %add3A_142 : i32
      %dma_wait3A_144 = arith.constant 11136 : i32
      %dma_wait3A_145 = tpu.memref_slice %arg7[%dma_wait3A_144] : memref<12544xi32, #tpu.memory_space<vmem>> -> memref<1408xi32, #tpu.memory_space<vmem>>
      %dma_wait3A_146 = tpu.memref_slice %arg4[%add3A_143] : memref<400000xi32, #tpu.memory_space<hbm>> -> memref<1408xi32, #tpu.memory_space<hbm>>
      %dma_wait3A_147 = arith.constant 11136 : i32
      %dma_wait3A_148 = tpu.memref_slice %arg7[%dma_wait3A_147] : memref<12544xi32, #tpu.memory_space<vmem>> -> memref<1408xi32, #tpu.memory_space<vmem>>
      %dma_wait3A_149 = tpu.memref_slice %arg4[%add3A_143] : memref<400000xi32, #tpu.memory_space<hbm>> -> memref<1408xi32, #tpu.memory_space<hbm>>
      tpu.wait_dma2 semaphore(%arg13 : memref<!tpu.dma_semaphore, #tpu.memory_space<semaphore_mem>>) src(%dma_wait3A_149 : memref<1408xi32, #tpu.memory_space<hbm>>) dst(%dma_wait3A_148 : memref<1408xi32, #tpu.memory_space<vmem>>)
    } else {
    }
    %dma_wait3A = arith.constant 0 : i32
    %dma_wait3A_36 = tpu.memref_slice %arg6[%dma_wait3A] : memref<12544xi32, #tpu.memory_space<vmem>> -> memref<11136xi32, #tpu.memory_space<vmem>>
    %dma_wait3A_37 = tpu.memref_slice %arg3[%mul3A_2] : memref<400000xi32, #tpu.memory_space<hbm>> -> memref<11136xi32, #tpu.memory_space<hbm>>
    %dma_wait3A_38 = arith.constant 0 : i32
    %dma_wait3A_39 = tpu.memref_slice %arg6[%dma_wait3A_38] : memref<12544xi32, #tpu.memory_space<vmem>> -> memref<11136xi32, #tpu.memory_space<vmem>>
    %dma_wait3A_40 = tpu.memref_slice %arg3[%mul3A_2] : memref<400000xi32, #tpu.memory_space<hbm>> -> memref<11136xi32, #tpu.memory_space<hbm>>
    tpu.wait_dma2 semaphore(%arg12 : memref<!tpu.dma_semaphore, #tpu.memory_space<semaphore_mem>>) src(%dma_wait3A_40 : memref<11136xi32, #tpu.memory_space<hbm>>) dst(%dma_wait3A_39 : memref<11136xi32, #tpu.memory_space<vmem>>)
    %dma_wait3A_41 = arith.constant 0 : i32
    %dma_wait3A_42 = tpu.memref_slice %arg7[%dma_wait3A_41] : memref<12544xi32, #tpu.memory_space<vmem>> -> memref<11136xi32, #tpu.memory_space<vmem>>
    %dma_wait3A_43 = tpu.memref_slice %arg4[%mul3A_2] : memref<400000xi32, #tpu.memory_space<hbm>> -> memref<11136xi32, #tpu.memory_space<hbm>>
    %dma_wait3A_44 = arith.constant 0 : i32
    %dma_wait3A_45 = tpu.memref_slice %arg7[%dma_wait3A_44] : memref<12544xi32, #tpu.memory_space<vmem>> -> memref<11136xi32, #tpu.memory_space<vmem>>
    %dma_wait3A_46 = tpu.memref_slice %arg4[%mul3A_2] : memref<400000xi32, #tpu.memory_space<hbm>> -> memref<11136xi32, #tpu.memory_space<hbm>>
    tpu.wait_dma2 semaphore(%arg13 : memref<!tpu.dma_semaphore, #tpu.memory_space<semaphore_mem>>) src(%dma_wait3A_46 : memref<11136xi32, #tpu.memory_space<hbm>>) dst(%dma_wait3A_45 : memref<11136xi32, #tpu.memory_space<vmem>>)
    %lt3A_47 = arith.constant 31 : i32
    %lt3A_48 = arith.cmpi slt, %add3A, %lt3A_47 : i32
    %jit3A = arith.constant 98 : i32
    %jit3A_49 = arith.constant 87 : i32
    %select_n3A = arith.select %lt3A_48, %jit3A, %jit3A_49 : i32
    %barrier3A = arith.constant 0 : index
    tpu.barrier barrier_id(%barrier3A)
    %sub3A = arith.constant 1 : i32
    %sub3A_50 = arith.subi %select_n3A, %sub3A : i32
    %mul3A_51 = arith.constant 128 : i32
    %mul3A_52 = arith.muli %sub3A_50, %mul3A_51 : i32
    %dma_start3A_53 = arith.constant 0 : i32
    %dma_start3A_54 = tpu.memref_slice %arg6[%dma_start3A_53] : memref<12544xi32, #tpu.memory_space<vmem>> -> memref<128xi32, #tpu.memory_space<vmem>>
    %dma_start3A_55 = arith.constant 0 : i32
    %dma_start3A_56 = arith.constant 0 : i32
    %dma_start3A_57 = tpu.memref_slice %arg2[%dma_start3A_55, %dma_start3A_56] : memref<32768x64xf32, #tpu.memory_space<hbm>> -> memref<32768x64xf32, #tpu.memory_space<hbm>>
    tpu.enqueue_indirect_dma source(%dma_start3A_57 : memref<32768x64xf32, #tpu.memory_space<hbm>>) target(%arg8 : memref<128x64xf32, #tpu.memory_space<vmem>>) offsets(%dma_start3A_54 : memref<128xi32, #tpu.memory_space<vmem>>) semaphore(%arg12 : memref<!tpu.dma_semaphore, #tpu.memory_space<semaphore_mem>>)
    %sub3A_58 = arith.constant 0 : i32
    %sub3A_59 = arith.subi %select_n3A, %sub3A_58 : i32
    %sub3A_60 = arith.constant 1 : i32
    %sub3A_61 = arith.constant 1 : i32
    %sub3A_62 = arith.subi %sub3A_60, %sub3A_61 : i32
    %add3A_63 = arith.addi %sub3A_59, %sub3A_62 : i32
    %div3A = arith.constant 1 : i32
    %div3A_64 = arith.divsi %add3A_63, %div3A : i32
    %while3A = arith.constant 1 : i32
    %while3A_65 = arith.constant 0 : i32
    %while3A_66 = arith.constant 0 : i32
    %while3A_67 = arith.subi %div3A_64, %while3A_66 : i32
    %while3A_68 = arith.addi %while3A_66, %while3A_67 : i32
    %while3A_69 = arith.constant 1 : i32
    %while3A_70 = arith.divsi %while3A_67, %while3A_69 : i32
    %while3A_71 = arith.muli %while3A_70, %while3A_69 : i32
    %while3A_72 = arith.addi %while3A_66, %while3A_71 : i32
    %while3A_73 = arith.constant 1 : i32
    scf.for %while3A_118 = %while3A_66 to %while3A_72 step %while3A_73  : i32 {
      %mul3A_119 = arith.muli %while3A_118, %while3A : i32
      %add3A_120 = arith.addi %while3A_65, %mul3A_119 : i32
      %jit3A_121 = arith.constant 2 : i32
      %eq3A_122 = arith.constant 0 : i32
      %eq3A_123 = arith.cmpi eq, %jit3A_121, %eq3A_122 : i32
      %jit3A_124 = arith.constant 1 : i32
      %select_n3A_125 = arith.select %eq3A_123, %jit3A_124, %jit3A_121 : i32
      %rem3A_126 = arith.remsi %add3A_120, %select_n3A_125 : i32
      %ne3A_127 = arith.constant 0 : i32
      %ne3A_128 = arith.cmpi ne, %rem3A_126, %ne3A_127 : i32
      %lt3A_129 = arith.constant 0 : i32
      %lt3A_130 = arith.cmpi slt, %rem3A_126, %lt3A_129 : i32
      %lt3A_131 = arith.constant 0 : i32
      %lt3A_132 = arith.cmpi slt, %select_n3A_125, %lt3A_131 : i32
      %ne3A_133 = arith.xori %lt3A_130, %lt3A_132 : i1
      %and3A_134 = arith.andi %ne3A_133, %ne3A_128 : i1
      %add3A_135 = arith.addi %rem3A_126, %select_n3A_125 : i32
      %select_n3A_136 = arith.select %and3A_134, %add3A_135, %rem3A_126 : i32
      %eq3A_137 = arith.constant 0 : i32
      %eq3A_138 = arith.cmpi eq, %select_n3A_136, %eq3A_137 : i32
      %convert_element_type3A_139 = arith.extui %eq3A_138 : i1 to i32
      %cond3A_140 = arith.constant 0 : i32
      %cond3A_141 = arith.cmpi ne, %convert_element_type3A_139, %cond3A_140 : i32
      scf.if %cond3A_141 {
        %add3A_146 = arith.constant 1 : i32
        %add3A_147 = arith.addi %add3A_120, %add3A_146 : i32
        %mul3A_148 = arith.constant 128 : i32
        %mul3A_149 = arith.muli %add3A_147, %mul3A_148 : i32
        %min3A = arith.minsi %mul3A_149, %mul3A_52 : i32
        %dma_start3A_150 = tpu.memref_slice %arg6[%min3A] : memref<12544xi32, #tpu.memory_space<vmem>> -> memref<128xi32, #tpu.memory_space<vmem>>
        %dma_start3A_151 = arith.constant 0 : i32
        %dma_start3A_152 = arith.constant 0 : i32
        %dma_start3A_153 = tpu.memref_slice %arg2[%dma_start3A_151, %dma_start3A_152] : memref<32768x64xf32, #tpu.memory_space<hbm>> -> memref<32768x64xf32, #tpu.memory_space<hbm>>
        tpu.enqueue_indirect_dma source(%dma_start3A_153 : memref<32768x64xf32, #tpu.memory_space<hbm>>) target(%arg9 : memref<128x64xf32, #tpu.memory_space<vmem>>) offsets(%dma_start3A_150 : memref<128xi32, #tpu.memory_space<vmem>>) semaphore(%arg13 : memref<!tpu.dma_semaphore, #tpu.memory_space<semaphore_mem>>)
        %dma_wait3A_154 = arith.constant 0 : i32
        %dma_wait3A_155 = tpu.memref_slice %arg6[%dma_wait3A_154] : memref<12544xi32, #tpu.memory_space<vmem>> -> memref<128xi32, #tpu.memory_space<vmem>>
        %dma_wait3A_156 = arith.constant 0 : i32
        %dma_wait3A_157 = arith.constant 0 : i32
        %dma_wait3A_158 = tpu.memref_slice %arg2[%dma_wait3A_156, %dma_wait3A_157] : memref<32768x64xf32, #tpu.memory_space<hbm>> -> memref<32768x64xf32, #tpu.memory_space<hbm>>
        tpu.wait_indirect_dma semaphore(%arg12 : memref<!tpu.dma_semaphore, #tpu.memory_space<semaphore_mem>>) src(%dma_wait3A_158 : memref<32768x64xf32, #tpu.memory_space<hbm>>) dst(%arg8 : memref<128x64xf32, #tpu.memory_space<vmem>>)
        %mul3A_159 = arith.constant 128 : i32
        %mul3A_160 = arith.muli %add3A_120, %mul3A_159 : i32
        "tpu.region"() ({
          %run_scoped3A = tpu.sem_alloc : memref<!tpu.dma_semaphore, #tpu.memory_space<semaphore_mem>>
          %dma_start3A_161 = tpu.memref_slice %arg7[%mul3A_160] : memref<12544xi32, #tpu.memory_space<vmem>> -> memref<128xi32, #tpu.memory_space<vmem>>
          %dma_start3A_162 = arith.constant 0 : i32
          %dma_start3A_163 = arith.constant 0 : i32
          %dma_start3A_164 = tpu.memref_slice %arg11[%dma_start3A_162, %dma_start3A_163] : memref<4096x64xf32, #tpu.memory_space<vmem_shared>> -> memref<4096x64xf32, #tpu.memory_space<vmem_shared>>
          tpu.enqueue_indirect_dma source(%arg8 : memref<128x64xf32, #tpu.memory_space<vmem>>) target(%dma_start3A_164 : memref<4096x64xf32, #tpu.memory_space<vmem_shared>>) offsets(%dma_start3A_161 : memref<128xi32, #tpu.memory_space<vmem>>) semaphore(%run_scoped3A : memref<!tpu.dma_semaphore, #tpu.memory_space<semaphore_mem>>) {add = true}
          %dma_wait3A_165 = tpu.memref_slice %arg7[%mul3A_160] : memref<12544xi32, #tpu.memory_space<vmem>> -> memref<128xi32, #tpu.memory_space<vmem>>
          %dma_wait3A_166 = arith.constant 0 : i32
          %dma_wait3A_167 = arith.constant 0 : i32
          %dma_wait3A_168 = tpu.memref_slice %arg11[%dma_wait3A_166, %dma_wait3A_167] : memref<4096x64xf32, #tpu.memory_space<vmem_shared>> -> memref<4096x64xf32, #tpu.memory_space<vmem_shared>>
          tpu.wait_indirect_dma semaphore(%run_scoped3A : memref<!tpu.dma_semaphore, #tpu.memory_space<semaphore_mem>>) src(%arg8 : memref<128x64xf32, #tpu.memory_space<vmem>>) dst(%dma_wait3A_168 : memref<4096x64xf32, #tpu.memory_space<vmem_shared>>)
          tpu.yield
        }) : () -> ()
      } else {
      }
      %not3A = arith.constant true
      %not3A_142 = arith.xori %eq3A_138, %not3A : i1
      %convert_element_type3A_143 = arith.extui %not3A_142 : i1 to i32
      %cond3A_144 = arith.constant 0 : i32
      %cond3A_145 = arith.cmpi ne, %convert_element_type3A_143, %cond3A_144 : i32
      scf.if %cond3A_145 {
        %add3A_146 = arith.constant 1 : i32
        %add3A_147 = arith.addi %add3A_120, %add3A_146 : i32
        %mul3A_148 = arith.constant 128 : i32
        %mul3A_149 = arith.muli %add3A_147, %mul3A_148 : i32
        %min3A = arith.minsi %mul3A_149, %mul3A_52 : i32
        %dma_start3A_150 = tpu.memref_slice %arg6[%min3A] : memref<12544xi32, #tpu.memory_space<vmem>> -> memref<128xi32, #tpu.memory_space<vmem>>
        %dma_start3A_151 = arith.constant 0 : i32
        %dma_start3A_152 = arith.constant 0 : i32
        %dma_start3A_153 = tpu.memref_slice %arg2[%dma_start3A_151, %dma_start3A_152] : memref<32768x64xf32, #tpu.memory_space<hbm>> -> memref<32768x64xf32, #tpu.memory_space<hbm>>
        tpu.enqueue_indirect_dma source(%dma_start3A_153 : memref<32768x64xf32, #tpu.memory_space<hbm>>) target(%arg8 : memref<128x64xf32, #tpu.memory_space<vmem>>) offsets(%dma_start3A_150 : memref<128xi32, #tpu.memory_space<vmem>>) semaphore(%arg12 : memref<!tpu.dma_semaphore, #tpu.memory_space<semaphore_mem>>)
        %dma_wait3A_154 = arith.constant 0 : i32
        %dma_wait3A_155 = tpu.memref_slice %arg6[%dma_wait3A_154] : memref<12544xi32, #tpu.memory_space<vmem>> -> memref<128xi32, #tpu.memory_space<vmem>>
        %dma_wait3A_156 = arith.constant 0 : i32
        %dma_wait3A_157 = arith.constant 0 : i32
        %dma_wait3A_158 = tpu.memref_slice %arg2[%dma_wait3A_156, %dma_wait3A_157] : memref<32768x64xf32, #tpu.memory_space<hbm>> -> memref<32768x64xf32, #tpu.memory_space<hbm>>
        tpu.wait_indirect_dma semaphore(%arg13 : memref<!tpu.dma_semaphore, #tpu.memory_space<semaphore_mem>>) src(%dma_wait3A_158 : memref<32768x64xf32, #tpu.memory_space<hbm>>) dst(%arg9 : memref<128x64xf32, #tpu.memory_space<vmem>>)
        %mul3A_159 = arith.constant 128 : i32
        %mul3A_160 = arith.muli %add3A_120, %mul3A_159 : i32
        "tpu.region"() ({
          %run_scoped3A = tpu.sem_alloc : memref<!tpu.dma_semaphore, #tpu.memory_space<semaphore_mem>>
          %dma_start3A_161 = tpu.memref_slice %arg7[%mul3A_160] : memref<12544xi32, #tpu.memory_space<vmem>> -> memref<128xi32, #tpu.memory_space<vmem>>
          %dma_start3A_162 = arith.constant 0 : i32
          %dma_start3A_163 = arith.constant 0 : i32
          %dma_start3A_164 = tpu.memref_slice %arg11[%dma_start3A_162, %dma_start3A_163] : memref<4096x64xf32, #tpu.memory_space<vmem_shared>> -> memref<4096x64xf32, #tpu.memory_space<vmem_shared>>
          tpu.enqueue_indirect_dma source(%arg9 : memref<128x64xf32, #tpu.memory_space<vmem>>) target(%dma_start3A_164 : memref<4096x64xf32, #tpu.memory_space<vmem_shared>>) offsets(%dma_start3A_161 : memref<128xi32, #tpu.memory_space<vmem>>) semaphore(%run_scoped3A : memref<!tpu.dma_semaphore, #tpu.memory_space<semaphore_mem>>) {add = true}
          %dma_wait3A_165 = tpu.memref_slice %arg7[%mul3A_160] : memref<12544xi32, #tpu.memory_space<vmem>> -> memref<128xi32, #tpu.memory_space<vmem>>
          %dma_wait3A_166 = arith.constant 0 : i32
          %dma_wait3A_167 = arith.constant 0 : i32
          %dma_wait3A_168 = tpu.memref_slice %arg11[%dma_wait3A_166, %dma_wait3A_167] : memref<4096x64xf32, #tpu.memory_space<vmem_shared>> -> memref<4096x64xf32, #tpu.memory_space<vmem_shared>>
          tpu.wait_indirect_dma semaphore(%run_scoped3A : memref<!tpu.dma_semaphore, #tpu.memory_space<semaphore_mem>>) src(%arg9 : memref<128x64xf32, #tpu.memory_space<vmem>>) dst(%dma_wait3A_168 : memref<4096x64xf32, #tpu.memory_space<vmem_shared>>)
          tpu.yield
        }) : () -> ()
      } else {
      }
    }
    %while3A_74 = arith.constant 1 : i32
    scf.for %while3A_118 = %while3A_72 to %while3A_68 step %while3A_74  : i32 {
      %mul3A_119 = arith.muli %while3A_118, %while3A : i32
      %add3A_120 = arith.addi %while3A_65, %mul3A_119 : i32
      %jit3A_121 = arith.constant 2 : i32
      %eq3A_122 = arith.constant 0 : i32
      %eq3A_123 = arith.cmpi eq, %jit3A_121, %eq3A_122 : i32
      %jit3A_124 = arith.constant 1 : i32
      %select_n3A_125 = arith.select %eq3A_123, %jit3A_124, %jit3A_121 : i32
      %rem3A_126 = arith.remsi %add3A_120, %select_n3A_125 : i32
      %ne3A_127 = arith.constant 0 : i32
      %ne3A_128 = arith.cmpi ne, %rem3A_126, %ne3A_127 : i32
      %lt3A_129 = arith.constant 0 : i32
      %lt3A_130 = arith.cmpi slt, %rem3A_126, %lt3A_129 : i32
      %lt3A_131 = arith.constant 0 : i32
      %lt3A_132 = arith.cmpi slt, %select_n3A_125, %lt3A_131 : i32
      %ne3A_133 = arith.xori %lt3A_130, %lt3A_132 : i1
      %and3A_134 = arith.andi %ne3A_133, %ne3A_128 : i1
      %add3A_135 = arith.addi %rem3A_126, %select_n3A_125 : i32
      %select_n3A_136 = arith.select %and3A_134, %add3A_135, %rem3A_126 : i32
      %eq3A_137 = arith.constant 0 : i32
      %eq3A_138 = arith.cmpi eq, %select_n3A_136, %eq3A_137 : i32
      %convert_element_type3A_139 = arith.extui %eq3A_138 : i1 to i32
      %cond3A_140 = arith.constant 0 : i32
      %cond3A_141 = arith.cmpi ne, %convert_element_type3A_139, %cond3A_140 : i32
      scf.if %cond3A_141 {
        %add3A_146 = arith.constant 1 : i32
        %add3A_147 = arith.addi %add3A_120, %add3A_146 : i32
        %mul3A_148 = arith.constant 128 : i32
        %mul3A_149 = arith.muli %add3A_147, %mul3A_148 : i32
        %min3A = arith.minsi %mul3A_149, %mul3A_52 : i32
        %dma_start3A_150 = tpu.memref_slice %arg6[%min3A] : memref<12544xi32, #tpu.memory_space<vmem>> -> memref<128xi32, #tpu.memory_space<vmem>>
        %dma_start3A_151 = arith.constant 0 : i32
        %dma_start3A_152 = arith.constant 0 : i32
        %dma_start3A_153 = tpu.memref_slice %arg2[%dma_start3A_151, %dma_start3A_152] : memref<32768x64xf32, #tpu.memory_space<hbm>> -> memref<32768x64xf32, #tpu.memory_space<hbm>>
        tpu.enqueue_indirect_dma source(%dma_start3A_153 : memref<32768x64xf32, #tpu.memory_space<hbm>>) target(%arg9 : memref<128x64xf32, #tpu.memory_space<vmem>>) offsets(%dma_start3A_150 : memref<128xi32, #tpu.memory_space<vmem>>) semaphore(%arg13 : memref<!tpu.dma_semaphore, #tpu.memory_space<semaphore_mem>>)
        %dma_wait3A_154 = arith.constant 0 : i32
        %dma_wait3A_155 = tpu.memref_slice %arg6[%dma_wait3A_154] : memref<12544xi32, #tpu.memory_space<vmem>> -> memref<128xi32, #tpu.memory_space<vmem>>
        %dma_wait3A_156 = arith.constant 0 : i32
        %dma_wait3A_157 = arith.constant 0 : i32
        %dma_wait3A_158 = tpu.memref_slice %arg2[%dma_wait3A_156, %dma_wait3A_157] : memref<32768x64xf32, #tpu.memory_space<hbm>> -> memref<32768x64xf32, #tpu.memory_space<hbm>>
        tpu.wait_indirect_dma semaphore(%arg12 : memref<!tpu.dma_semaphore, #tpu.memory_space<semaphore_mem>>) src(%dma_wait3A_158 : memref<32768x64xf32, #tpu.memory_space<hbm>>) dst(%arg8 : memref<128x64xf32, #tpu.memory_space<vmem>>)
        %mul3A_159 = arith.constant 128 : i32
        %mul3A_160 = arith.muli %add3A_120, %mul3A_159 : i32
        "tpu.region"() ({
          %run_scoped3A = tpu.sem_alloc : memref<!tpu.dma_semaphore, #tpu.memory_space<semaphore_mem>>
          %dma_start3A_161 = tpu.memref_slice %arg7[%mul3A_160] : memref<12544xi32, #tpu.memory_space<vmem>> -> memref<128xi32, #tpu.memory_space<vmem>>
          %dma_start3A_162 = arith.constant 0 : i32
          %dma_start3A_163 = arith.constant 0 : i32
          %dma_start3A_164 = tpu.memref_slice %arg11[%dma_start3A_162, %dma_start3A_163] : memref<4096x64xf32, #tpu.memory_space<vmem_shared>> -> memref<4096x64xf32, #tpu.memory_space<vmem_shared>>
          tpu.enqueue_indirect_dma source(%arg8 : memref<128x64xf32, #tpu.memory_space<vmem>>) target(%dma_start3A_164 : memref<4096x64xf32, #tpu.memory_space<vmem_shared>>) offsets(%dma_start3A_161 : memref<128xi32, #tpu.memory_space<vmem>>) semaphore(%run_scoped3A : memref<!tpu.dma_semaphore, #tpu.memory_space<semaphore_mem>>) {add = true}
          %dma_wait3A_165 = tpu.memref_slice %arg7[%mul3A_160] : memref<12544xi32, #tpu.memory_space<vmem>> -> memref<128xi32, #tpu.memory_space<vmem>>
          %dma_wait3A_166 = arith.constant 0 : i32
          %dma_wait3A_167 = arith.constant 0 : i32
          %dma_wait3A_168 = tpu.memref_slice %arg11[%dma_wait3A_166, %dma_wait3A_167] : memref<4096x64xf32, #tpu.memory_space<vmem_shared>> -> memref<4096x64xf32, #tpu.memory_space<vmem_shared>>
          tpu.wait_indirect_dma semaphore(%run_scoped3A : memref<!tpu.dma_semaphore, #tpu.memory_space<semaphore_mem>>) src(%arg8 : memref<128x64xf32, #tpu.memory_space<vmem>>) dst(%dma_wait3A_168 : memref<4096x64xf32, #tpu.memory_space<vmem_shared>>)
          tpu.yield
        }) : () -> ()
      } else {
      }
      %not3A = arith.constant true
      %not3A_142 = arith.xori %eq3A_138, %not3A : i1
      %convert_element_type3A_143 = arith.extui %not3A_142 : i1 to i32
      %cond3A_144 = arith.constant 0 : i32
      %cond3A_145 = arith.cmpi ne, %convert_element_type3A_143, %cond3A_144 : i32
      scf.if %cond3A_145 {
        %add3A_146 = arith.constant 1 : i32
        %add3A_147 = arith.addi %add3A_120, %add3A_146 : i32
        %mul3A_148 = arith.constant 128 : i32
        %mul3A_149 = arith.muli %add3A_147, %mul3A_148 : i32
        %min3A = arith.minsi %mul3A_149, %mul3A_52 : i32
        %dma_start3A_150 = tpu.memref_slice %arg6[%min3A] : memref<12544xi32, #tpu.memory_space<vmem>> -> memref<128xi32, #tpu.memory_space<vmem>>
        %dma_start3A_151 = arith.constant 0 : i32
        %dma_start3A_152 = arith.constant 0 : i32
        %dma_start3A_153 = tpu.memref_slice %arg2[%dma_start3A_151, %dma_start3A_152] : memref<32768x64xf32, #tpu.memory_space<hbm>> -> memref<32768x64xf32, #tpu.memory_space<hbm>>
        tpu.enqueue_indirect_dma source(%dma_start3A_153 : memref<32768x64xf32, #tpu.memory_space<hbm>>) target(%arg8 : memref<128x64xf32, #tpu.memory_space<vmem>>) offsets(%dma_start3A_150 : memref<128xi32, #tpu.memory_space<vmem>>) semaphore(%arg12 : memref<!tpu.dma_semaphore, #tpu.memory_space<semaphore_mem>>)
        %dma_wait3A_154 = arith.constant 0 : i32
        %dma_wait3A_155 = tpu.memref_slice %arg6[%dma_wait3A_154] : memref<12544xi32, #tpu.memory_space<vmem>> -> memref<128xi32, #tpu.memory_space<vmem>>
        %dma_wait3A_156 = arith.constant 0 : i32
        %dma_wait3A_157 = arith.constant 0 : i32
        %dma_wait3A_158 = tpu.memref_slice %arg2[%dma_wait3A_156, %dma_wait3A_157] : memref<32768x64xf32, #tpu.memory_space<hbm>> -> memref<32768x64xf32, #tpu.memory_space<hbm>>
        tpu.wait_indirect_dma semaphore(%arg13 : memref<!tpu.dma_semaphore, #tpu.memory_space<semaphore_mem>>) src(%dma_wait3A_158 : memref<32768x64xf32, #tpu.memory_space<hbm>>) dst(%arg9 : memref<128x64xf32, #tpu.memory_space<vmem>>)
        %mul3A_159 = arith.constant 128 : i32
        %mul3A_160 = arith.muli %add3A_120, %mul3A_159 : i32
        "tpu.region"() ({
          %run_scoped3A = tpu.sem_alloc : memref<!tpu.dma_semaphore, #tpu.memory_space<semaphore_mem>>
          %dma_start3A_161 = tpu.memref_slice %arg7[%mul3A_160] : memref<12544xi32, #tpu.memory_space<vmem>> -> memref<128xi32, #tpu.memory_space<vmem>>
          %dma_start3A_162 = arith.constant 0 : i32
          %dma_start3A_163 = arith.constant 0 : i32
          %dma_start3A_164 = tpu.memref_slice %arg11[%dma_start3A_162, %dma_start3A_163] : memref<4096x64xf32, #tpu.memory_space<vmem_shared>> -> memref<4096x64xf32, #tpu.memory_space<vmem_shared>>
          tpu.enqueue_indirect_dma source(%arg9 : memref<128x64xf32, #tpu.memory_space<vmem>>) target(%dma_start3A_164 : memref<4096x64xf32, #tpu.memory_space<vmem_shared>>) offsets(%dma_start3A_161 : memref<128xi32, #tpu.memory_space<vmem>>) semaphore(%run_scoped3A : memref<!tpu.dma_semaphore, #tpu.memory_space<semaphore_mem>>) {add = true}
          %dma_wait3A_165 = tpu.memref_slice %arg7[%mul3A_160] : memref<12544xi32, #tpu.memory_space<vmem>> -> memref<128xi32, #tpu.memory_space<vmem>>
          %dma_wait3A_166 = arith.constant 0 : i32
          %dma_wait3A_167 = arith.constant 0 : i32
          %dma_wait3A_168 = tpu.memref_slice %arg11[%dma_wait3A_166, %dma_wait3A_167] : memref<4096x64xf32, #tpu.memory_space<vmem_shared>> -> memref<4096x64xf32, #tpu.memory_space<vmem_shared>>
          tpu.wait_indirect_dma semaphore(%run_scoped3A : memref<!tpu.dma_semaphore, #tpu.memory_space<semaphore_mem>>) src(%arg9 : memref<128x64xf32, #tpu.memory_space<vmem>>) dst(%dma_wait3A_168 : memref<4096x64xf32, #tpu.memory_space<vmem_shared>>)
          tpu.yield
        }) : () -> ()
      } else {
      }
    }
    %jit3A_75 = arith.constant 2 : i32
    %eq3A = arith.constant 0 : i32
    %eq3A_76 = arith.cmpi eq, %jit3A_75, %eq3A : i32
    %jit3A_77 = arith.constant 1 : i32
    %select_n3A_78 = arith.select %eq3A_76, %jit3A_77, %jit3A_75 : i32
    %rem3A = arith.remsi %select_n3A, %select_n3A_78 : i32
    %ne3A = arith.constant 0 : i32
    %ne3A_79 = arith.cmpi ne, %rem3A, %ne3A : i32
    %lt3A_80 = arith.constant 0 : i32
    %lt3A_81 = arith.cmpi slt, %rem3A, %lt3A_80 : i32
    %lt3A_82 = arith.constant 0 : i32
    %lt3A_83 = arith.cmpi slt, %select_n3A_78, %lt3A_82 : i32
    %ne3A_84 = arith.xori %lt3A_81, %lt3A_83 : i1
    %and3A = arith.andi %ne3A_84, %ne3A_79 : i1
    %add3A_85 = arith.addi %rem3A, %select_n3A_78 : i32
    %select_n3A_86 = arith.select %and3A, %add3A_85, %rem3A : i32
    %eq3A_87 = arith.constant 1 : i32
    %eq3A_88 = arith.cmpi eq, %select_n3A_86, %eq3A_87 : i32
    %convert_element_type3A_89 = arith.extui %eq3A_88 : i1 to i32
    %cond3A_90 = arith.constant 0 : i32
    %cond3A_91 = arith.cmpi ne, %convert_element_type3A_89, %cond3A_90 : i32
    scf.if %cond3A_91 {
      %dma_wait3A_118 = arith.constant 0 : i32
      %dma_wait3A_119 = tpu.memref_slice %arg6[%dma_wait3A_118] : memref<12544xi32, #tpu.memory_space<vmem>> -> memref<128xi32, #tpu.memory_space<vmem>>
      %dma_wait3A_120 = arith.constant 0 : i32
      %dma_wait3A_121 = arith.constant 0 : i32
      %dma_wait3A_122 = tpu.memref_slice %arg2[%dma_wait3A_120, %dma_wait3A_121] : memref<32768x64xf32, #tpu.memory_space<hbm>> -> memref<32768x64xf32, #tpu.memory_space<hbm>>
      tpu.wait_indirect_dma semaphore(%arg13 : memref<!tpu.dma_semaphore, #tpu.memory_space<semaphore_mem>>) src(%dma_wait3A_122 : memref<32768x64xf32, #tpu.memory_space<hbm>>) dst(%arg9 : memref<128x64xf32, #tpu.memory_space<vmem>>)
    } else {
    }
    %jit3A_92 = arith.constant 2 : i32
    %eq3A_93 = arith.constant 0 : i32
    %eq3A_94 = arith.cmpi eq, %jit3A_92, %eq3A_93 : i32
    %jit3A_95 = arith.constant 1 : i32
    %select_n3A_96 = arith.select %eq3A_94, %jit3A_95, %jit3A_92 : i32
    %rem3A_97 = arith.remsi %select_n3A, %select_n3A_96 : i32
    %ne3A_98 = arith.constant 0 : i32
    %ne3A_99 = arith.cmpi ne, %rem3A_97, %ne3A_98 : i32
    %lt3A_100 = arith.constant 0 : i32
    %lt3A_101 = arith.cmpi slt, %rem3A_97, %lt3A_100 : i32
    %lt3A_102 = arith.constant 0 : i32
    %lt3A_103 = arith.cmpi slt, %select_n3A_96, %lt3A_102 : i32
    %ne3A_104 = arith.xori %lt3A_101, %lt3A_103 : i1
    %and3A_105 = arith.andi %ne3A_104, %ne3A_99 : i1
    %add3A_106 = arith.addi %rem3A_97, %select_n3A_96 : i32
    %select_n3A_107 = arith.select %and3A_105, %add3A_106, %rem3A_97 : i32
    %eq3A_108 = arith.constant 0 : i32
    %eq3A_109 = arith.cmpi eq, %select_n3A_107, %eq3A_108 : i32
    %convert_element_type3A_110 = arith.extui %eq3A_109 : i1 to i32
    %cond3A_111 = arith.constant 0 : i32
    %cond3A_112 = arith.cmpi ne, %convert_element_type3A_110, %cond3A_111 : i32
    scf.if %cond3A_112 {
      %dma_wait3A_118 = arith.constant 0 : i32
      %dma_wait3A_119 = tpu.memref_slice %arg6[%dma_wait3A_118] : memref<12544xi32, #tpu.memory_space<vmem>> -> memref<128xi32, #tpu.memory_space<vmem>>
      %dma_wait3A_120 = arith.constant 0 : i32
      %dma_wait3A_121 = arith.constant 0 : i32
      %dma_wait3A_122 = tpu.memref_slice %arg2[%dma_wait3A_120, %dma_wait3A_121] : memref<32768x64xf32, #tpu.memory_space<hbm>> -> memref<32768x64xf32, #tpu.memory_space<hbm>>
      tpu.wait_indirect_dma semaphore(%arg12 : memref<!tpu.dma_semaphore, #tpu.memory_space<semaphore_mem>>) src(%dma_wait3A_122 : memref<32768x64xf32, #tpu.memory_space<hbm>>) dst(%arg8 : memref<128x64xf32, #tpu.memory_space<vmem>>)
    } else {
    }
    %barrier3A_113 = arith.constant 0 : index
    tpu.barrier barrier_id(%barrier3A_113)
    %mul3A_114 = arith.constant 256 : i32
    %mul3A_115 = arith.muli %arg1, %mul3A_114 : i32
    %mul3A_116 = arith.constant 256 : i32
    %mul3A_117 = arith.muli %arg1, %mul3A_116 : i32
    "tpu.region"() ({
      %run_scoped3A = tpu.sem_alloc : memref<!tpu.dma_semaphore, #tpu.memory_space<semaphore_mem>>
      %dma_start3A_118 = arith.constant 0 : i32
      %dma_start3A_119 = tpu.memref_slice %arg5[%arg0, %mul3A_117, %dma_start3A_118] : memref<2x4096x64xf32, #tpu.memory_space<hbm>> -> memref<1x256x64xf32, #tpu.memory_space<hbm>>
      %dma_start3A_120 = tpu.memref_squeeze %dma_start3A_119 : memref<1x256x64xf32, #tpu.memory_space<hbm>> -> memref<256x64xf32, #tpu.memory_space<hbm>>
      %dma_start3A_121 = arith.constant 0 : i32
      %dma_start3A_122 = tpu.memref_slice %arg11[%mul3A_115, %dma_start3A_121] : memref<4096x64xf32, #tpu.memory_space<vmem_shared>> -> memref<256x64xf32, #tpu.memory_space<vmem_shared>>
      tpu.enqueue_dma source(%dma_start3A_122 : memref<256x64xf32, #tpu.memory_space<vmem_shared>>) target(%dma_start3A_120 : memref<256x64xf32, #tpu.memory_space<hbm>>) target_semaphore(%run_scoped3A : memref<!tpu.dma_semaphore, #tpu.memory_space<semaphore_mem>>)
      %dma_wait3A_123 = arith.constant 0 : i32
      %dma_wait3A_124 = tpu.memref_slice %arg5[%arg0, %mul3A_117, %dma_wait3A_123] : memref<2x4096x64xf32, #tpu.memory_space<hbm>> -> memref<1x256x64xf32, #tpu.memory_space<hbm>>
      %dma_wait3A_125 = tpu.memref_squeeze %dma_wait3A_124 : memref<1x256x64xf32, #tpu.memory_space<hbm>> -> memref<256x64xf32, #tpu.memory_space<hbm>>
      %dma_wait3A_126 = arith.constant 0 : i32
      %dma_wait3A_127 = tpu.memref_slice %arg11[%mul3A_115, %dma_wait3A_126] : memref<4096x64xf32, #tpu.memory_space<vmem_shared>> -> memref<256x64xf32, #tpu.memory_space<vmem_shared>>
      tpu.wait_dma2 semaphore(%run_scoped3A : memref<!tpu.dma_semaphore, #tpu.memory_space<semaphore_mem>>) src(%dma_wait3A_127 : memref<256x64xf32, #tpu.memory_space<vmem_shared>>) dst(%dma_wait3A_125 : memref<256x64xf32, #tpu.memory_space<hbm>>)
      tpu.yield
    }) : () -> ()
    return
  }
}

</mosaic_0001>

<sc_bundles>
// kernel: kernel.4.cloned.1.call-start
scs
__scs_entry_jumppad:
0x0: {  	(pc) =	sbr.rel $0x88, $3  }
0x1: {  	(tag) =	ssettag $0x0;
	lr =	simm.s32 $0x1  }
0x2: {  	[smem:$0x3F98] =	sst lr;
	_ =	strace $0xD0000000  }
0x3: {  	_ = 	snop  }
0x4: {  	_ = 	snop  }
0x5: {  	_ = 	snop  }
0x6: {  	_ = 	snop  }
0x7: {  	_ = 	snop  }
__scs_overlays_trampoline_lowered:
0x8: {  	[smem:$0x3FA7] =	sst s0  }
0x9: {  	[smem:$0x3FA8] =	sst s1  }
0xa: {  	[smem:$0x3FA9] =	sst s2  }
0xb: {  	[smem:$0x3FAA] =	sst s3  }
0xc: {  	[smem:$0x3FAB] =	sst s4  }
0xd: {  	[smem:$0x3FAC] =	sst s5  }
0xe: {  	[smem:$0x3FAD] =	sst s6  }
0xf: {  	[smem:$0x3FAE] =	sst s7  }
0x10: {  	[smem:$0x3FAF] =	sst s8  }
0x11: {  	[smem:$0x3FB0] =	sst s9;
	s0 =	simm.s32 @!p0 $0x0  }
0x12: {  	s1 =	sld [smem:$0x3F96];
	s0 =	simm.s32 @p0 $0x1  }
0x13: {  	[smem:$0x3FB1] =	sst s0;
	s0 =	simm.s32 @!p1 $0x0  }
0x14: {  	s2 =	sld [smem:$0x3F95];
	s0 =	simm.s32 @p1 $0x1  }
0x15: {  	[smem:$0x3FB2] =	sst s0;
	s0 =	simm.s32 @!p2 $0x0  }
0x16: {  	s3 =	sld [smem:$0x3FDB];
	s0 =	simm.s32 @p2 $0x1  }
0x17: {  	s4 =	simm.s32 $0x1BF5;
	[smem:$0x3FB4] =	sst s0  }
0x18: {  	s0 =	sld [smem:$0x3F97];
	_ =	swait.ge [sflag:s4], $0x0  }
0x19: {  	s7 =	sld [smem:$0x3F98]  }
0x1a: {  	s8 =	sadd.s32 $0xFFFFE003, lr  }
0x1b: {  	s9 =	sadd.s32 $0xFFFFFEF7, lr;
	s5 =	simm.s32 $0xFFFFFFFF;
	p2 =	slt.u32 s8, $0xFFFFF086  }
0x1c: {  	p1 =	slt.u32 s9, $0xF7A;
	s5 =	simm.s32 @!p2 $0x0  }
0x1d: {  	s5 =	simm.s32 @p1 $0x1;
	p0 =	seq.s32 s7, s2  }
0x1e: {  	s7 =	smul.u32 @!p0 $0xF7A, s2;
	p2 =	seq.s32 @!p0 s5, $0x0  }
0x1f: {  	s9 =	smul.u32 $0xF7A, s1;
	s8 =	simm.s32 @!p0 $0x1BF5;
	p2 =	por !p2, p0  }
0x20: {  	[sflag:s8] =	ssyncset.s32 @!p0 $0xFFFFF086;
	s6 =	sadd.s32 @!p0 s3, s7;
	s7 =	simm.s32 @!p0 $0x108  }
0x21: {  	s3 =	sadd.s32 s3, s9;
	s6 =	sadd.s32 @!p0 $0x88, s6;
	s7 =	simm.s32 @p2 $0x1082  }
0x22: {  	[simem:s7], [sflag:s8] =	dma.local @!p0 [hbm:s6], $0xF7A  }
0x23: {  	s9 =	sor.u32 $0xD0000000, s2;
	s6 =	simm.s32 $0x108;
	_ =	swait.ge @!p0 [sflag:s8], $0x0  }
0x24: {  	s3 =	sadd.s32 $0x88, s3;
	s6 =	simm.s32 @!p1 $0x1082;
	[sflag:s4] =	ssyncset.s32 $0xFFFFF086  }
0x25: {  	[simem:s6], [sflag:s4] =	dma.local [hbm:s3], $0xF7A  }
0x26: {  	[smem:$0x3F98] =	sst s1;
	(tag) =	ssettag s2;
	_ =	strace s9  }
0x27: {  	s1 =	sld [smem:$0x3FA8]  }
0x28: {  	s2 =	sld [smem:$0x3FA9]  }
0x29: {  	s4 =	sld [smem:$0x3FAB]  }
0x2a: {  	p0 =	seq.s32 s5, $0x0;
	s5 =	sld [smem:$0x3FAC]  }
0x2b: {  	s6 =	sld [smem:$0x3FAD]  }
0x2c: {  	s7 =	sld [smem:$0x3FAE]  }
0x2d: {  	s3 =	simm.s32 $0x108;
	s8 =	sld [smem:$0x3FAF]  }
0x2e: {  	s3 =	simm.s32 @!p0 $0x1082;
	s9 =	sld [smem:$0x3FB0]  }
0x2f: {  	lr =	sadd.s32 s0, s3;
	s0 =	sld [smem:$0x3FA7]  }
0x30: {  	s3 =	sld [smem:$0x3FAA]  }
0x31: {  	[smem:$0x3FB3] =	sst s10  }
0x32: {  	s10 =	sld [smem:$0x3FB1];
	_ =	sdelay $0x3  }
0x33: {  	p0 =	seq.s32 s10, $0x1;
	s10 =	sld [smem:$0x3FB3];
	_ =	sdelay $0x3  }
0x34: {  	[smem:$0x3FB3] =	sst s10  }
0x35: {  	s10 =	sld [smem:$0x3FB2];
	_ =	sdelay $0x3  }
0x36: {  	p1 =	seq.s32 s10, $0x1;
	s10 =	sld [smem:$0x3FB3];
	_ =	sdelay $0x3  }
0x37: {  	[smem:$0x3FB3] =	sst s10  }
0x38: {  	s10 =	sld [smem:$0x3FB4]  }
0x39: {  	_ = 	snop;
	(pc) =	sbr.ind lr, $3  }
0x3a: {  	_ = 	snop  }
0x3b: {  	_ = 	snop  }
0x3c: {  	p2 =	seq.s32 s10, $0x1;
	s10 =	sld [smem:$0x3FB3]  }
0x3d: {  	_ =	shalt  }
0x3e: {  	_ =	shalt  }
0x3f: {  	_ =	shalt  }
0x40: {  	_ =	shalt  }
0x41: {  	_ =	shalt  }
0x42: {  	_ =	shalt  }
0x43: {  	_ =	shalt  }
0x44: {  	_ =	shalt  }
0x45: {  	_ =	shalt  }
0x46: {  	_ =	shalt  }
0x47: {  	_ =	shalt  }
0x48: {  	_ =	shalt  }
0x49: {  	_ =	shalt  }
0x4a: {  	_ =	shalt  }
0x4b: {  	_ =	shalt  }
0x4c: {  	_ =	shalt  }
0x4d: {  	_ =	shalt  }
0x4e: {  	_ =	shalt  }
0x4f: {  	_ =	shalt  }
0x50: {  	_ =	shalt  }
0x51: {  	_ =	shalt  }
0x52: {  	_ =	shalt  }
0x53: {  	_ =	shalt  }
0x54: {  	_ =	shalt  }
0x55: {  	_ =	shalt  }
0x56: {  	_ =	shalt  }
0x57: {  	_ =	shalt  }
0x58: {  	_ =	shalt  }
0x59: {  	_ =	shalt  }
0x5a: {  	_ =	shalt  }
0x5b: {  	_ =	shalt  }
0x5c: {  	_ =	shalt  }
0x5d: {  	_ =	shalt  }
0x5e: {  	_ =	shalt  }
0x5f: {  	_ =	shalt  }
0x60: {  	_ =	shalt  }
0x61: {  	_ =	shalt  }
0x62: {  	_ =	shalt  }
0x63: {  	_ =	shalt  }
0x64: {  	_ =	shalt  }
0x65: {  	_ =	shalt  }
0x66: {  	_ =	shalt  }
0x67: {  	_ =	shalt  }
0x68: {  	_ =	shalt  }
0x69: {  	_ =	shalt  }
0x6a: {  	_ =	shalt  }
0x6b: {  	_ =	shalt  }
0x6c: {  	_ =	shalt  }
0x6d: {  	_ =	shalt  }
0x6e: {  	_ =	shalt  }
0x6f: {  	_ =	shalt  }
0x70: {  	_ =	shalt  }
0x71: {  	_ =	shalt  }
0x72: {  	_ =	shalt  }
0x73: {  	_ =	shalt  }
0x74: {  	_ =	shalt  }
0x75: {  	_ =	shalt  }
0x76: {  	_ =	shalt  }
0x77: {  	_ =	shalt  }
0x78: {  	_ =	shalt  }
0x79: {  	_ =	shalt  }
0x7a: {  	_ =	shalt  }
0x7b: {  	_ =	shalt  }
0x7c: {  	_ =	shalt  }
0x7d: {  	_ =	shalt  }
0x7e: {  	_ =	shalt  }
0x7f: {  	_ =	shalt  }
0x80: {  	_ =	shalt  }
0x81: {  	_ =	shalt  }
0x82: {  	_ =	shalt  }
0x83: {  	_ =	shalt  }
0x84: {  	_ =	shalt  }
0x85: {  	_ =	shalt  }
0x86: {  	_ =	shalt  }
0x87: {  	_ =	shalt  }
.Lfunc_end0:
.L_simem_size_0:
called_computation_lowered:
.L_overlay_start_0:
0x88: {  	s2 =	sld [smem:$0x3FD9]  }
0x89: {  	s3 =	sld [smem:$0x3FFE];
	_ =	sdelay $0x1  }
0x8a: {  	s1 =	srdreg.scid  }
0x8b: {  	s0 =	sand.u32 $0x1, s1  }
0x8c: {  	s16 =	sshll.u32 s0, $0xA;
	s2 =	sadd.s32 s3, s2  }
0x8d: {  	s2 =	sadd.s32 s2, s16  }
0x8e: {  	[smem:$0x3FBF] =	sst s2  }
0x8f: {  	_ = 	snop  }
0x90: {  	(tm) =	ssettm $0x1  }
0x91: {  	s17 =	sld [smem:$0x3FFB];
	_ =	sdelay $0x3  }
0x92: {  	_ =	strace s17  }
0x93: {  	s2 =	sld [smem:$0x3FFC];
	_ =	sdelay $0x3  }
0x94: {  	_ =	strace s2  }
0x95: {  	s2 =	sld [smem:$0x3FFD];
	_ =	sdelay $0x3  }
0x96: {  	_ =	strace s2  }
0x97: {  	_ =	strace $0x8FFFFFFF  }
0x98: {  	s18 =	sld [smem:$0x3FDB];
	_ =	sdelay $0x1  }
0x99: {  	s19 =	simm.s32 $_scs_section_size  }
0x9a: {  	s4 =	simm.s32 $_size__tile_overlayer_lowered;
	s5 =	simm.s32 $_tile_overlayer_lowered  }
0x9b: {  	s22 =	simm.s32 $0x1BFF;
	s21 =	sshll.u32 s5, $0x1;
	s2 =	sadd.s32 s19, s18  }
0x9c: {  	s6 =	simm.s32 $0x0;
	s20 =	sshll.u32 s4, $0x1;
	s4 =	sadd.s32 s21, s2  }
0x9d: {  	[timem:s6], [sflag:s22] =	dma.local [hbm:s4], s20  }
0x9e: {  	_ =	swait.ge [sflag:s22], s20  }
0x9f: {  	s3 =	ssub.s32 $0x0, s20;
	[sflag:s22] =	ssyncset.done $0x0  }
0xa0: {  	[sflag:s22] =	ssyncadd.s32 s3;
	_ =	sdelay $0x1  }
0xa1: {  	s23 =	simm.s32 $0x1B8B  }
0xa2: {  	_ =	swait.ge [sflag:s23], $0x1  }
0xa3: {  	[sflag:s23] =	ssyncset.done $0x0  }
0xa4: {  	s25 =	simm.s32 $0x1B8E;
	s24 =	sld [smem:$0x3FFE];
	[sflag:s23] =	ssyncadd.s32 $0xFFFFFFFF  }
0xa5: {  	s26 =	simm.s32 $execute0_lowered;
	[smem:$0x3FD2] =	sst s25  }
0xa6: {  	s4 =	sshll.u32 s26, $0x1;
	_ =	strace $0x80000046;
	[dreg:$0x1] =	wrdreg $0xFFFFFFFF  }
0xa7: {  	s28 =	simm.s32 $_size_execute0_lowered;
	s2 =	sadd.s32 s2, s4;
	[dreg:$0x0] =	wrdreg $0x0  }
0xa8: {  	s4 =	sshll.u32 s28, $0x1;
	[dreg:$0x2] =	wrdreg s2  }
0xa9: {  	[dreg:$0x3] =	wrdreg s4  }
0xaa: {  	[dreg:$0x4] =	wrdreg $0xC0  }
0xab: {  	_ =	task [dreg:s6], $0x5FFFF  }
0xac: {  	[dreg:$0x1] =	wrdreg $0xFFFFFFFF  }
0xad: {  	[dreg:$0x0] =	wrdreg $0x60  }
0xae: {  	[dreg:$0x2] =	wrdreg s24  }
0xaf: {  	[dreg:$0x3] =	wrdreg $0xB2000  }
0xb0: {  	[dreg:$0x4] =	wrdreg $0x9  }
0xb1: {  	_ =	task.clear_ibuf [dreg:s6], $0x5FFFF;
	_ =	strace $0x90000046  }
0xb2: {  	s29 =	simm.s32 $0x9;
	_ =	strace $0x80000048  }
0xb3: {  	_ =	swait.ge [sflag:s29], $0x1  }
0xb4: {  	[sflag:s29] =	ssyncadd.s32 $0xFFFFFFFF  }
0xb5: {  	_ =	strace $0x90000048  }
0xb6: {  	_ =	sfence  }
0xb7: {  	s30 =	sld [smem:$0x0];
	_ =	sdelay $0x2  }
0xb8: {  	s31 =	sshll.u32 s1, $0xD;
	s1 =	sshrl.u32 s1, $0x2  }
0xb9: {  	s3 =	sand.u32 $0x4000, s31;
	s1 =	sadd.s32 s1, s30  }
0xba: {  	s0 =	sor.u32 s3, s0;
	s1 =	sshll.u32 s1, $0x11  }
0xbb: {  	s0 =	sor.u32 s1, s0  }
0xbc: {  	s0 =	sadd.s32 $0x8F2B, s0  }
0xbd: {  	[sflag:s0] =	ssyncadd.remote.s32 $0x1  }
0xbe: {  	_ =	sfence.sel $0xFFFF  }
0xbf: {  	[dreg:$0x0] =	wrdreg $0xFFFFFFFF;
	(pc) =	sbr.abs _section_cstart, $3  }
0xc0: {  	[dreg:$0x1] =	wrdreg $0xFFFFFFFF  }
0xc1: {  	_ =	task.clear_ibuf [dreg:s6], $0x2FFFF;
	_ =	strace $0x9FFFFFFF  }
0xc2: {  	(tm) =	ssettm $0x7FFFFFFF  }
0xc3: {  	_ =	shalt  }
tec
execute0_lowered:
.L_overlay_start_1:
0x0: {  	(tag) =	ssettag $0x1  }
0x1: {  	s6 =	rddreg [dreg:$0x0]  }
0x2: {  	s1 =	rddreg [dreg:$0x1]  }
0x3: {  	s2 =	simm.s32 $0x0;
	s5 =	srdreg.scid;
	s0 =	stileid.u32  }
0x4: {  	s18 =	simm.s32 $0x1;
	s19 =	simm.s32 $0x2;
	s20 =	simm.s32 $0x6200  }
0x5: {  	s21 =	simm.s32 $0x0;
	[smem:$0x7FF] =	sst s2;
	s4 =	sadd.s32 $0x99800, s6  }
0x6: {  	s5 =	sand.u32 $0x1, s5;
	s11 =	sadd.s32 $0xD400, s6;
	s7 =	sshll.u32 s0, $0xE  }
0x7: {  	s12 =	sadd.s32 $0x1000, s6;
	_ =	strace $0x80000047;
	s8 =	sshll.u32 s5, $0x12  }
0x8: {  	s9 =	sshll.u32 s5, $0x4;
	s10 =	ssub.s32 $0x2, s5;
	s5 =	sadd.s32 s7, s1  }
0x9: {  	s8 =	sor.u32 s7, s8;
	s15 =	sor.u32 s0, s9;
	s31 =	sshrl.u32 s10, $0x1  }
0xa: {  	s7 =	sadd.s32 $0x2000, s5;
	s8 =	sshrl.u32 s8, $0x3;
	s13 =	smul.u32 $0x3100, s15  }
0xb: {  	s16 =	ssub.s32 s10, s31;
	p0 =	seq.s32 s15, $0x1F;
	s15 =	simm.s32 $0xA200  }
0xc: {  	s14 =	sadd.s32 s8, s6;
	s6 =	sadd.s32 $0x1000, s5;
	s13 =	sshrl.u32 s13, $0x3  }
0xd: {  	s9 =	sadd.s32 s11, s13;
	s10 =	sadd.s32 s12, s13;
	s13 =	sadd.s32 $0x570, s13  }
0xe: {  	s8 =	sadd.s32 $0x3000, s5;
	s11 =	sadd.s32 s11, s13;
	s12 =	sadd.s32 s12, s13  }
0xf: {  	v0 =	vimm.f32 $0.0e+00;
	s13 =	sadd.s32 $0x19800, s14;
	s14 =	smax.u32 s16, $0x1;
	s16 =	simm.s32 $0x3  }
.LBB2_1:
0x10: {  	s23 =	simm.s32 $0x100;
	s22 =	simm.s32 $0x0  }
.LBB2_2:
0x11: {  	p1 =	sne.s32 s23, $0x3F00;
	[tilespmem:s22+$0xA230] =	vst v0;
	s24 =	smov.u32 s23;
	s23 =	sadd.s32 $0x100, s23  }
.Ltmp0:
0x12: {  	[tilespmem:s22+$0xA220] =	vst v0;
	(pc) =	sbr.rel @p1 .LBB2_2-.Ltmp0, $3  }
0x13: {  	[tilespmem:s22+$0xA200] =	vst v0  }
0x14: {  	[tilespmem:s22+$0xA210] =	vst v0;
	_ =	sdelay $0x1  }
0x15: {  	s22 =	sshra.s32 s24, $0x2  }
0x16: {  	[tilespmem:s22+$0xA230] =	vst v0  }
0x17: {  	[tilespmem:s22+$0xA220] =	vst v0  }
0x18: {  	[tilespmem:s22+$0xA200] =	vst v0  }
0x19: {  	[tilespmem:s22+$0xA210] =	vst v0  }
0x1a: {  	[spmem:s5] =	stream.linear.scatter [tilespmem:s15], [sflag:$0x3], $0x1000, $0x38;
	[tilespmem:$0xF200] =	vst v63  }
0x1b: {  	_ =	swait.ge [sflag:s16], $0x1000  }
0x1c: {  	[sflag:s16] =	ssyncset.done $0x0  }
0x1d: {  	[sflag:s16] =	ssyncadd.s32 $0xFFFFF000  }
0x1e: {  	[spmem:s6] =	stream.linear.scatter [tilespmem:s15], [sflag:$0x3], $0x1000, $0x38;
	[tilespmem:$0xF200] =	vst v63  }
0x1f: {  	_ =	swait.ge [sflag:s16], $0x1000  }
0x20: {  	[sflag:s16] =	ssyncset.done $0x0  }
0x21: {  	[sflag:s16] =	ssyncadd.s32 $0xFFFFF000  }
0x22: {  	[spmem:s7] =	stream.linear.scatter [tilespmem:s15], [sflag:$0x3], $0x1000, $0x38;
	[tilespmem:$0xF200] =	vst v63  }
0x23: {  	_ =	swait.ge [sflag:s16], $0x1000  }
0x24: {  	[sflag:s16] =	ssyncset.done $0x0  }
0x25: {  	[sflag:s16] =	ssyncadd.s32 $0xFFFFF000  }
0x26: {  	[spmem:s8] =	stream.linear.scatter [tilespmem:s15], [sflag:$0x3], $0x1000, $0x38;
	[tilespmem:$0xF200] =	vst v63  }
0x27: {  	_ =	swait.ge [sflag:s16], $0x1000  }
0x28: {  	[sflag:s16] =	ssyncset.done $0x0  }
0x29: {  	[sflag:s16] =	ssyncadd.s32 $0xFFFFF000  }
0x2a: {  	[tilespmem:s2], [sflag:$0x1] =	stream.linear.gather [hbm4b:s9+s2], $0x2B80, $0x38;
	[tilespmem:$0xF200] =	vst v63  }
0x2b: {  	s0 =	simm.s32 $0x3100  }
0x2c: {  	[tilespmem:s0], [sflag:$0x2] =	stream.linear.gather [hbm4b:s10+s2], $0x2B80, $0x38;
	[tilespmem:$0xF200] =	vst v63  }
0x2d: {  	s22 =	simm.s32 @!p0 $0x0;
	s23 =	simm.s32 @!p0 $0x2B80  }
0x2e: {  	[tilespmem:s23], [sflag:$0x1] =	stream.linear.gather @!p0 [hbm4b:s11+s22], $0x580, $0x38;
	[tilespmem:$0xF200] =	vst v63  }
0x2f: {  	s23 =	simm.s32 @!p0 $0x5C80  }
0x30: {  	[tilespmem:s23], [sflag:$0x2] =	stream.linear.gather @!p0 [hbm4b:s12+s22], $0x580, $0x38;
	[tilespmem:$0xF200] =	vst v63  }
0x31: {  	s22 =	simm.s32 @!p0 $0x1  }
0x32: {  	_ =	swait.ge @!p0 [sflag:s22], $0x580  }
0x33: {  	[sflag:s22] =	ssyncset.done @!p0 $0x0  }
0x34: {  	[sflag:s22] =	ssyncadd.s32 @!p0 $0xFFFFFA80;
	s22 =	simm.s32 @!p0 $0x2  }
0x35: {  	_ =	swait.ge @!p0 [sflag:s22], $0x580  }
0x36: {  	[sflag:s22] =	ssyncset.done @!p0 $0x0  }
0x37: {  	[sflag:s22] =	ssyncadd.s32 @!p0 $0xFFFFFA80  }
0x38: {  	_ =	swait.ge [sflag:s18], $0x2B80  }
0x39: {  	[sflag:s18] =	ssyncset.done $0x0  }
0x3a: {  	[sflag:s18] =	ssyncadd.s32 $0xFFFFD480  }
0x3b: {  	s22 =	simm.s32 @!p0 $0x62;
	_ =	swait.ge [sflag:s19], $0x2B80  }
0x3c: {  	s22 =	simm.s32 @p0 $0x57;
	[sflag:s19] =	ssyncset.done $0x0  }
0x3d: {  	s24 =	simm.s32 $0x80;
	p4 =	sne.s32 s22, $0x1;
	[sflag:s19] =	ssyncadd.s32 $0xFFFFD480  }
.Ltmp1:
0x3e: {  	s25 =	simm.s32 $0x0;
	[bflag:$0x0] =	sbarrier.arrive $0xFFFF;
	(pc) =	sbr.rel @!p4 .LBB2_4-.Ltmp1, $4  }
0x3f: {  	[tilespmem:s20], [sflag:$0x1] =	stream.indirect.gather [hbm4b:s4+s24], $0x40, s25, s24, $0xb8;
	[tilespmem:$0xF200] =	vst v63  }
0x40: {  	s28 =	simm.s32 $0x3100;
	s31 =	sshll.u32 s22, $0x7;
	s25 =	sand.u32 $0x1, s25  }
0x41: {  	s29 =	simm.s32 $0x1;
	s23 =	sadd.s32 $0xFFFFFF80, s31;
	p1 =	seq.s32 s25, $0x1  }
0x42: {  	p2 =	por $0x0, $0x0;
	p5 =	sgt.s32 @p1 s23, $0x80;
	p3 =	sgt.s32 @!p1 s23, $0x80  }
0x43: {  	p2 =	por !p5, !p1;
	s25 =	simm.s32 @p1 $0x2;
	s26 =	simm.s32 $0x80  }
0x44: {  	s30 =	simm.s32 @p1 $0x80;
	s31 =	simm.s32 @p1 $0x6200;
	s26 =	smov.u32 @p2 s23  }
0x45: {  	[tilespmem:s31], [sflag:$0x1] =	stream.indirect.gather @p1 [hbm4b:s4+s30], $0x40, s26, s30, $0xb8;
	[tilespmem:$0xF200] =	vst v63  }
0x46: {  	s17 =	sand.u32 $0x1, s29;
	s29 =	simm.s32 @!p1 $0x6200;
	_ =	swait.ge @p1 [sflag:s25], $0x2000  }
0x47: {  	p4 =	sne.s32 s22, $0x2;
	p2 =	por !p3, p1;
	[sflag:s25] =	ssyncset.done @p1 $0x0  }
0x48: {  	s31 =	simm.s32 @!p1 $0x1;
	[sflag:s25] =	ssyncadd.s32 @p1 $0xFFFFE000;
	s25 =	simm.s32 @p1 $0x8200  }
0x49: {  	[spmem:s1] =	stream.indirect.scatter.add.f32 @p1 [tilespmem:s25], [sflag:$0x3], $0x40, s28, s30, $0xb8;
	[tilespmem:$0xF200] =	vst v63  }
0x4a: {  	s24 =	smov.u32 @p2 s23;
	s30 =	simm.s32 @!p1 $0x80;
	s25 =	simm.s32 @!p1 $0x8200  }
0x4b: {  	[tilespmem:s25], [sflag:$0x2] =	stream.indirect.gather @!p1 [hbm4b:s4+s30], $0x40, s24, s30, $0xb8;
	[tilespmem:$0xF200] =	vst v63  }
0x4c: {  	s26 =	simm.s32 @!p1 $0x4;
	p2 =	por $0x1, $0x1;
	_ =	swait.ge @!p1 [sflag:s31], $0x2000  }
.Ltmp2:
0x4d: {  	s26 =	simm.s32 @p1 $0x3;
	[sflag:s31] =	ssyncset.done @!p1 $0x0;
	(pc) =	sbr.rel @!p4 .LBB2_6-.Ltmp2, $4  }
0x4e: {  	s25 =	simm.s32 $0x2;
	s24 =	simm.s32 $0x100;
	[sflag:s31] =	ssyncadd.s32 @!p1 $0xFFFFE000  }
0x4f: {  	[spmem:s1] =	stream.indirect.scatter.add.f32 @!p1 [tilespmem:s29], [sflag:$0x4], $0x40, s28, s30, $0xb8;
	[tilespmem:$0xF200] =	vst v63  }
0x50: {  	s28 =	simm.s32 $0x3180;
	p1 =	seq.s32 s17, $0x1;
	_ =	swait.ge [sflag:s26], $0x2000  }
0x51: {  	p5 =	sgt.s32 @p1 s23, $0x100;
	p3 =	sgt.s32 @!p1 s23, $0x100;
	[sflag:s26] =	ssyncset.done $0x0  }
.LBB2_7:
0x52: {  	p4 =	por !p5, !p1;
	s29 =	simm.s32 @p1 $0x2;
	[sflag:s26] =	ssyncadd.s32 $0xFFFFE000  }
0x53: {  	s30 =	smov.u32 s25;
	s31 =	smov.u32 s28;
	s26 =	smov.u32 s24  }
0x54: {  	s0 =	simm.s32 @p1 $0x80;
	s3 =	simm.s32 @p1 $0x6200;
	s26 =	smov.u32 @p4 s23  }
0x55: {  	[tilespmem:s3], [sflag:$0x1] =	stream.indirect.gather @p1 [hbm4b:s4+s0], $0x40, s26, s0, $0xb8;
	[tilespmem:$0xF200] =	vst v63  }
0x56: {  	s25 =	sadd.s32 $0x1, s25;
	s26 =	simm.s32 @!p1 $0x4;
	_ =	swait.ge @p1 [sflag:s29], $0x2000  }
0x57: {  	p4 =	sne.s32 s22, s25;
	s3 =	simm.s32 @!p1 $0x1;
	[sflag:s29] =	ssyncset.done @p1 $0x0  }
0x58: {  	p3 =	por !p3, p1;
	[sflag:s29] =	ssyncadd.s32 @p1 $0xFFFFE000;
	s29 =	simm.s32 @p1 $0x8200  }
0x59: {  	[spmem:s1] =	stream.indirect.scatter.add.f32 @p1 [tilespmem:s29], [sflag:$0x3], $0x40, s28, s0, $0xb8;
	[tilespmem:$0xF200] =	vst v63  }
0x5a: {  	s0 =	smov.u32 s24  }
0x5b: {  	s17 =	simm.s32 @!p1 $0x8200;
	s29 =	simm.s32 @!p1 $0x80;
	s0 =	smov.u32 @p3 s23  }
0x5c: {  	[tilespmem:s17], [sflag:$0x2] =	stream.indirect.gather @!p1 [hbm4b:s4+s29], $0x40, s0, s29, $0xb8;
	[tilespmem:$0xF200] =	vst v63  }
0x5d: {  	s28 =	sadd.s32 $0x80, s28;
	_ =	swait.ge @!p1 [sflag:s3], $0x2000  }
.Ltmp3:
0x5e: {  	s26 =	simm.s32 @p1 $0x3;
	[sflag:s3] =	ssyncset.done @!p1 $0x0;
	(pc) =	sbr.rel @p4 .LBB2_7-.Ltmp3, $4  }
0x5f: {  	s0 =	sand.u32 $0x1, s30;
	[sflag:s3] =	ssyncadd.s32 @!p1 $0xFFFFE000;
	s3 =	simm.s32 @!p1 $0x6200  }
0x60: {  	[spmem:s1] =	stream.indirect.scatter.add.f32 @!p1 [tilespmem:s3], [sflag:$0x4], $0x40, s31, s29, $0xb8;
	[tilespmem:$0xF200] =	vst v63  }
0x61: {  	s24 =	sadd.s32 $0x80, s24;
	p1 =	seq.s32 s0, $0x1;
	_ =	swait.ge [sflag:s26], $0x2000  }
0x62: {  	p5 =	slt.s32 @p1 s24, s23;
	p3 =	slt.s32 @!p1 s24, s23;
	[sflag:s26] =	ssyncset.done $0x0  }
.LBB2_8:
0x63: {  	p4 =	por !p5, !p1  }
0x64: {  	s0 =	simm.s32 @p1 $0x2;
	[sflag:s26] =	ssyncadd.s32 @p2 $0xFFFFE000;
	s3 =	smov.u32 s24  }
0x65: {  	s17 =	simm.s32 @p1 $0x80;
	s25 =	simm.s32 @p1 $0x6200;
	s3 =	smov.u32 @p4 s23  }
0x66: {  	[tilespmem:s25], [sflag:$0x1] =	stream.indirect.gather @p1 [hbm4b:s4+s17], $0x40, s3, s17, $0xb8;
	[tilespmem:$0xF200] =	vst v63  }
0x67: {  	_ =	swait.ge @p1 [sflag:s0], $0x2000  }
0x68: {  	p2 =	por !p3, p1;
	[sflag:s0] =	ssyncset.done @p1 $0x0  }
0x69: {  	s24 =	smov.u32 @p2 s23;
	[sflag:s0] =	ssyncadd.s32 @p1 $0xFFFFE000;
	s0 =	simm.s32 @p1 $0x8200  }
0x6a: {  	[spmem:s1] =	stream.indirect.scatter.add.f32 @p1 [tilespmem:s0], [sflag:$0x3], $0x40, s28, s17, $0xb8;
	[tilespmem:$0xF200] =	vst v63  }
0x6b: {  	s3 =	simm.s32 @!p1 $0x1;
	s0 =	simm.s32 @!p1 $0x80;
	s17 =	simm.s32 @!p1 $0x8200  }
0x6c: {  	[tilespmem:s17], [sflag:$0x2] =	stream.indirect.gather @!p1 [hbm4b:s4+s0], $0x40, s24, s0, $0xb8;
	[tilespmem:$0xF200] =	vst v63  }
0x6d: {  	_ =	swait.ge @!p1 [sflag:s3], $0x2000  }
0x6e: {  	s17 =	simm.s32 @!p1 $0x4;
	[sflag:s3] =	ssyncset.done @!p1 $0x0  }
0x6f: {  	s17 =	simm.s32 @p1 $0x3;
	[sflag:s3] =	ssyncadd.s32 @!p1 $0xFFFFE000;
	s3 =	simm.s32 @!p1 $0x6200  }
0x70: {  	[spmem:s1] =	stream.indirect.scatter.add.f32 @!p1 [tilespmem:s3], [sflag:$0x4], $0x40, s28, s0, $0xb8;
	[tilespmem:$0xF200] =	vst v63  }
0x71: {  	s29 =	sand.u32 $0x1, s22;
	_ =	swait.ge [sflag:s17], $0x2000  }
0x72: {  	p1 =	seq.s32 s29, $0x1;
	s0 =	simm.s32 $0x2;
	[sflag:s17] =	ssyncset.done $0x0  }
0x73: {  	s0 =	simm.s32 @!p1 $0x1;
	[sflag:s17] =	ssyncadd.s32 $0xFFFFE000  }
0x74: {  	_ =	swait.ge [sflag:s0], $0x2000  }
0x75: {  	s30 =	stileid.u32;
	s31 =	sshrl.u32 s5, $0x3;
	[sflag:s0] =	ssyncset.done $0x0  }
0x76: {  	s21 =	sadd.s32 $0x1, s21;
	[sflag:s0] =	ssyncadd.s32 $0xFFFFE000;
	s0 =	sshll.u32 s30, $0x6  }
0x77: {  	p1 =	sne.s32 s21, s14;
	[bflag:$0x0] =	sbarrier.arrive $0xFFFF;
	s0 =	sor.u32 $0x1C03, s0  }
0x78: {  	[hbm:s13], [sflag:s0] =	dma.local [spmem:s31], $0x800  }
.Ltmp4:
0x79: {  	_ = 	snop;
	(pc) =	sbr.rel @p1 .LBB2_1-.Ltmp4, $4  }
.Ltmp5:
0x7a: {  	_ = 	snop;
	(pc) =	sbr.rel @!p1 .LBB2_9-.Ltmp5, $4  }
0x7b: {  	_ =	swait.ge [sflag:s16], $0x800  }
0x7c: {  	[sflag:s16] =	ssyncset.done $0x0  }
0x7d: {  	[sflag:s16] =	ssyncadd.s32 $0xFFFFF800  }
0x7e: {  	_ = 	snop  }
.LBB2_4:
.Ltmp6:
0x7f: {  	(pc) =	sbr.rel .LBB2_8-.Ltmp6, $2  }
0x80: {  	_ =	sdelay $0x2  }
0x81: {  	_ = 	snop  }
.LBB2_6:
.Ltmp7:
0x82: {  	(pc) =	sbr.rel .LBB2_8-.Ltmp7, $2  }
0x83: {  	_ =	sdelay $0x2  }
0x84: {  	s28 =	simm.s32 $0x3180  }
.LBB2_9:
0x85: {  	_ =	sfence.sel $0x180000  }
0x86: {  	[bflag:$0x0] =	sbarrier.arrive $0xFFFF  }
0x87: {  	_ =	strace $0x90000047  }
0x88: {  	s0 =	stileid.u32;
	[bflag:$0x2] =	sbarrier.arrive $0xFFFF  }
0x89: {  	p0 =	sne.s32 s0, $0x0;
	s0 =	rddreg [dreg:$0x2]  }
0x8a: {  	s0 =	sadd.s32 @!p0 $0x100000, s0  }
0x8b: {  	[sflag:s0] =	ssyncadd.tile.s32 @!p0 $0x1;
	_ =	shalt  }
.Lfunc_end2:
_tile_overlayer_lowered:
.L_overlay_start_2:
0x8c: {  	(tag) =	ssettag $0x2  }
0x8d: {  	s0 =	rddreg [dreg:$0x0];
	s2 =	stileid.u32  }
0x8e: {  	s1 =	rddreg [dreg:$0x1];
	p0 =	sne.s32 s2, $0x0  }
0x8f: {  	s3 =	rddreg [dreg:$0x2];
	[bflag:$0x3] =	sbarrier.arrive $0xFFFF;
	s2 =	simm.s32 @!p0 $0x1C03  }
0x90: {  	[timem:s3], [sflag:s2] =	dma.local @!p0 [hbm:s0], s1  }
0x91: {  	s0 =	simm.s32 @!p0 $0x3  }
0x92: {  	_ =	swait.ge @!p0 [sflag:s0], s1  }
0x93: {  	s1 =	ssub.s32 @!p0 $0x0, s1;
	[sflag:s0] =	ssyncset.done @!p0 $0x0  }
0x94: {  	[sflag:s0] =	ssyncadd.s32 @!p0 s1  }
0x95: {  	[bflag:$0x3] =	sbarrier.arrive $0xFFFF  }
0x96: {  	_ =	shalt  }

// kernel: kernel.7.cloned.1.call-start
scs
__scs_entry_jumppad:
0x0: {  	(pc) =	sbr.rel $0x88, $3  }
0x1: {  	(tag) =	ssettag $0x0;
	lr =	simm.s32 $0x1  }
0x2: {  	[smem:$0x3F98] =	sst lr;
	_ =	strace $0xD0000000  }
0x3: {  	_ = 	snop  }
0x4: {  	_ = 	snop  }
0x5: {  	_ = 	snop  }
0x6: {  	_ = 	snop  }
0x7: {  	_ = 	snop  }
__scs_overlays_trampoline_lowered:
0x8: {  	[smem:$0x3FA7] =	sst s0  }
0x9: {  	[smem:$0x3FA8] =	sst s1  }
0xa: {  	[smem:$0x3FA9] =	sst s2  }
0xb: {  	[smem:$0x3FAA] =	sst s3  }
0xc: {  	[smem:$0x3FAB] =	sst s4  }
0xd: {  	[smem:$0x3FAC] =	sst s5  }
0xe: {  	[smem:$0x3FAD] =	sst s6  }
0xf: {  	[smem:$0x3FAE] =	sst s7  }
0x10: {  	[smem:$0x3FAF] =	sst s8  }
0x11: {  	[smem:$0x3FB0] =	sst s9;
	s0 =	simm.s32 @!p0 $0x0  }
0x12: {  	s1 =	sld [smem:$0x3F96];
	s0 =	simm.s32 @p0 $0x1  }
0x13: {  	[smem:$0x3FB1] =	sst s0;
	s0 =	simm.s32 @!p1 $0x0  }
0x14: {  	s2 =	sld [smem:$0x3F95];
	s0 =	simm.s32 @p1 $0x1  }
0x15: {  	[smem:$0x3FB2] =	sst s0;
	s0 =	simm.s32 @!p2 $0x0  }
0x16: {  	s3 =	sld [smem:$0x3FDB];
	s0 =	simm.s32 @p2 $0x1  }
0x17: {  	s4 =	simm.s32 $0x1BF5;
	[smem:$0x3FB4] =	sst s0  }
0x18: {  	s0 =	sld [smem:$0x3F97];
	_ =	swait.ge [sflag:s4], $0x0  }
0x19: {  	s7 =	sld [smem:$0x3F98]  }
0x1a: {  	s8 =	sadd.s32 $0xFFFFE003, lr  }
0x1b: {  	s9 =	sadd.s32 $0xFFFFFEF7, lr;
	s5 =	simm.s32 $0xFFFFFFFF;
	p2 =	slt.u32 s8, $0xFFFFF086  }
0x1c: {  	p1 =	slt.u32 s9, $0xF7A;
	s5 =	simm.s32 @!p2 $0x0  }
0x1d: {  	s5 =	simm.s32 @p1 $0x1;
	p0 =	seq.s32 s7, s2  }
0x1e: {  	s7 =	smul.u32 @!p0 $0xF7A, s2;
	p2 =	seq.s32 @!p0 s5, $0x0  }
0x1f: {  	s9 =	smul.u32 $0xF7A, s1;
	s8 =	simm.s32 @!p0 $0x1BF5;
	p2 =	por !p2, p0  }
0x20: {  	[sflag:s8] =	ssyncset.s32 @!p0 $0xFFFFF086;
	s6 =	sadd.s32 @!p0 s3, s7;
	s7 =	simm.s32 @!p0 $0x108  }
0x21: {  	s3 =	sadd.s32 s3, s9;
	s6 =	sadd.s32 @!p0 $0x88, s6;
	s7 =	simm.s32 @p2 $0x1082  }
0x22: {  	[simem:s7], [sflag:s8] =	dma.local @!p0 [hbm:s6], $0xF7A  }
0x23: {  	s9 =	sor.u32 $0xD0000000, s2;
	s6 =	simm.s32 $0x108;
	_ =	swait.ge @!p0 [sflag:s8], $0x0  }
0x24: {  	s3 =	sadd.s32 $0x88, s3;
	s6 =	simm.s32 @!p1 $0x1082;
	[sflag:s4] =	ssyncset.s32 $0xFFFFF086  }
0x25: {  	[simem:s6], [sflag:s4] =	dma.local [hbm:s3], $0xF7A  }
0x26: {  	[smem:$0x3F98] =	sst s1;
	(tag) =	ssettag s2;
	_ =	strace s9  }
0x27: {  	s1 =	sld [smem:$0x3FA8]  }
0x28: {  	s2 =	sld [smem:$0x3FA9]  }
0x29: {  	s4 =	sld [smem:$0x3FAB]  }
0x2a: {  	p0 =	seq.s32 s5, $0x0;
	s5 =	sld [smem:$0x3FAC]  }
0x2b: {  	s6 =	sld [smem:$0x3FAD]  }
0x2c: {  	s7 =	sld [smem:$0x3FAE]  }
0x2d: {  	s3 =	simm.s32 $0x108;
	s8 =	sld [smem:$0x3FAF]  }
0x2e: {  	s3 =	simm.s32 @!p0 $0x1082;
	s9 =	sld [smem:$0x3FB0]  }
0x2f: {  	lr =	sadd.s32 s0, s3;
	s0 =	sld [smem:$0x3FA7]  }
0x30: {  	s3 =	sld [smem:$0x3FAA]  }
0x31: {  	[smem:$0x3FB3] =	sst s10  }
0x32: {  	s10 =	sld [smem:$0x3FB1];
	_ =	sdelay $0x3  }
0x33: {  	p0 =	seq.s32 s10, $0x1;
	s10 =	sld [smem:$0x3FB3];
	_ =	sdelay $0x3  }
0x34: {  	[smem:$0x3FB3] =	sst s10  }
0x35: {  	s10 =	sld [smem:$0x3FB2];
	_ =	sdelay $0x3  }
0x36: {  	p1 =	seq.s32 s10, $0x1;
	s10 =	sld [smem:$0x3FB3];
	_ =	sdelay $0x3  }
0x37: {  	[smem:$0x3FB3] =	sst s10  }
0x38: {  	s10 =	sld [smem:$0x3FB4]  }
0x39: {  	_ = 	snop;
	(pc) =	sbr.ind lr, $3  }
0x3a: {  	_ = 	snop  }
0x3b: {  	_ = 	snop  }
0x3c: {  	p2 =	seq.s32 s10, $0x1;
	s10 =	sld [smem:$0x3FB3]  }
0x3d: {  	_ =	shalt  }
0x3e: {  	_ =	shalt  }
0x3f: {  	_ =	shalt  }
0x40: {  	_ =	shalt  }
0x41: {  	_ =	shalt  }
0x42: {  	_ =	shalt  }
0x43: {  	_ =	shalt  }
0x44: {  	_ =	shalt  }
0x45: {  	_ =	shalt  }
0x46: {  	_ =	shalt  }
0x47: {  	_ =	shalt  }
0x48: {  	_ =	shalt  }
0x49: {  	_ =	shalt  }
0x4a: {  	_ =	shalt  }
0x4b: {  	_ =	shalt  }
0x4c: {  	_ =	shalt  }
0x4d: {  	_ =	shalt  }
0x4e: {  	_ =	shalt  }
0x4f: {  	_ =	shalt  }
0x50: {  	_ =	shalt  }
0x51: {  	_ =	shalt  }
0x52: {  	_ =	shalt  }
0x53: {  	_ =	shalt  }
0x54: {  	_ =	shalt  }
0x55: {  	_ =	shalt  }
0x56: {  	_ =	shalt  }
0x57: {  	_ =	shalt  }
0x58: {  	_ =	shalt  }
0x59: {  	_ =	shalt  }
0x5a: {  	_ =	shalt  }
0x5b: {  	_ =	shalt  }
0x5c: {  	_ =	shalt  }
0x5d: {  	_ =	shalt  }
0x5e: {  	_ =	shalt  }
0x5f: {  	_ =	shalt  }
0x60: {  	_ =	shalt  }
0x61: {  	_ =	shalt  }
0x62: {  	_ =	shalt  }
0x63: {  	_ =	shalt  }
0x64: {  	_ =	shalt  }
0x65: {  	_ =	shalt  }
0x66: {  	_ =	shalt  }
0x67: {  	_ =	shalt  }
0x68: {  	_ =	shalt  }
0x69: {  	_ =	shalt  }
0x6a: {  	_ =	shalt  }
0x6b: {  	_ =	shalt  }
0x6c: {  	_ =	shalt  }
0x6d: {  	_ =	shalt  }
0x6e: {  	_ =	shalt  }
0x6f: {  	_ =	shalt  }
0x70: {  	_ =	shalt  }
0x71: {  	_ =	shalt  }
0x72: {  	_ =	shalt  }
0x73: {  	_ =	shalt  }
0x74: {  	_ =	shalt  }
0x75: {  	_ =	shalt  }
0x76: {  	_ =	shalt  }
0x77: {  	_ =	shalt  }
0x78: {  	_ =	shalt  }
0x79: {  	_ =	shalt  }
0x7a: {  	_ =	shalt  }
0x7b: {  	_ =	shalt  }
0x7c: {  	_ =	shalt  }
0x7d: {  	_ =	shalt  }
0x7e: {  	_ =	shalt  }
0x7f: {  	_ =	shalt  }
0x80: {  	_ =	shalt  }
0x81: {  	_ =	shalt  }
0x82: {  	_ =	shalt  }
0x83: {  	_ =	shalt  }
0x84: {  	_ =	shalt  }
0x85: {  	_ =	shalt  }
0x86: {  	_ =	shalt  }
0x87: {  	_ =	shalt  }
.Lfunc_end0:
.L_simem_size_0:
called_computation.1_lowered:
.L_overlay_start_0:
0x88: {  	s2 =	sld [smem:$0x3FD9]  }
0x89: {  	s3 =	sld [smem:$0x3FFE];
	_ =	sdelay $0x1  }
0x8a: {  	s1 =	srdreg.scid  }
0x8b: {  	s0 =	sand.u32 $0x1, s1  }
0x8c: {  	s16 =	sshll.u32 s0, $0xA;
	s2 =	sadd.s32 s3, s2  }
0x8d: {  	s2 =	sadd.s32 s2, s16  }
0x8e: {  	[smem:$0x3FBF] =	sst s2  }
0x8f: {  	_ = 	snop  }
0x90: {  	(tm) =	ssettm $0x1  }
0x91: {  	s17 =	sld [smem:$0x3FFB];
	_ =	sdelay $0x3  }
0x92: {  	_ =	strace s17  }
0x93: {  	s2 =	sld [smem:$0x3FFC];
	_ =	sdelay $0x3  }
0x94: {  	_ =	strace s2  }
0x95: {  	s2 =	sld [smem:$0x3FFD];
	_ =	sdelay $0x3  }
0x96: {  	_ =	strace s2  }
0x97: {  	_ =	strace $0x8FFFFFFF  }
0x98: {  	s18 =	sld [smem:$0x3FDB];
	_ =	sdelay $0x1  }
0x99: {  	s19 =	simm.s32 $_scs_section_size  }
0x9a: {  	s4 =	simm.s32 $_size__tile_overlayer_lowered;
	s5 =	simm.s32 $_tile_overlayer_lowered  }
0x9b: {  	s22 =	simm.s32 $0x1BFF;
	s21 =	sshll.u32 s5, $0x1;
	s2 =	sadd.s32 s19, s18  }
0x9c: {  	s6 =	simm.s32 $0x0;
	s20 =	sshll.u32 s4, $0x1;
	s4 =	sadd.s32 s21, s2  }
0x9d: {  	[timem:s6], [sflag:s22] =	dma.local [hbm:s4], s20  }
0x9e: {  	_ =	swait.ge [sflag:s22], s20  }
0x9f: {  	s3 =	ssub.s32 $0x0, s20;
	[sflag:s22] =	ssyncset.done $0x0  }
0xa0: {  	[sflag:s22] =	ssyncadd.s32 s3;
	_ =	sdelay $0x1  }
0xa1: {  	s23 =	simm.s32 $0x1B8B  }
0xa2: {  	_ =	swait.ge [sflag:s23], $0x1  }
0xa3: {  	[sflag:s23] =	ssyncset.done $0x0  }
0xa4: {  	s25 =	simm.s32 $0x1B8E;
	s24 =	sld [smem:$0x3FFE];
	[sflag:s23] =	ssyncadd.s32 $0xFFFFFFFF  }
0xa5: {  	s26 =	simm.s32 $execute0_lowered;
	[smem:$0x3FD2] =	sst s25  }
0xa6: {  	s4 =	sshll.u32 s26, $0x1;
	_ =	strace $0x80000049;
	[dreg:$0x1] =	wrdreg $0xFFFFFFFF  }
0xa7: {  	s28 =	simm.s32 $_size_execute0_lowered;
	s2 =	sadd.s32 s2, s4;
	[dreg:$0x0] =	wrdreg $0x0  }
0xa8: {  	s4 =	sshll.u32 s28, $0x1;
	[dreg:$0x2] =	wrdreg s2  }
0xa9: {  	[dreg:$0x3] =	wrdreg s4  }
0xaa: {  	[dreg:$0x4] =	wrdreg $0xC0  }
0xab: {  	_ =	task [dreg:s6], $0x5FFFF  }
0xac: {  	[dreg:$0x1] =	wrdreg $0xFFFFFFFF  }
0xad: {  	[dreg:$0x0] =	wrdreg $0x60  }
0xae: {  	[dreg:$0x2] =	wrdreg s24  }
0xaf: {  	[dreg:$0x3] =	wrdreg $0xB2000  }
0xb0: {  	[dreg:$0x4] =	wrdreg $0x9  }
0xb1: {  	_ =	task.clear_ibuf [dreg:s6], $0x5FFFF;
	_ =	strace $0x90000049  }
0xb2: {  	s29 =	simm.s32 $0x9;
	_ =	strace $0x8000004B  }
0xb3: {  	_ =	swait.ge [sflag:s29], $0x1  }
0xb4: {  	[sflag:s29] =	ssyncadd.s32 $0xFFFFFFFF  }
0xb5: {  	_ =	strace $0x9000004B  }
0xb6: {  	_ =	sfence  }
0xb7: {  	s30 =	sld [smem:$0x0];
	_ =	sdelay $0x2  }
0xb8: {  	s31 =	sshll.u32 s1, $0xD;
	s1 =	sshrl.u32 s1, $0x2  }
0xb9: {  	s3 =	sand.u32 $0x4000, s31;
	s1 =	sadd.s32 s1, s30  }
0xba: {  	s0 =	sor.u32 s3, s0;
	s1 =	sshll.u32 s1, $0x11  }
0xbb: {  	s0 =	sor.u32 s1, s0  }
0xbc: {  	s0 =	sadd.s32 $0x8F2B, s0  }
0xbd: {  	[sflag:s0] =	ssyncadd.remote.s32 $0x1  }
0xbe: {  	_ =	sfence.sel $0xFFFF  }
0xbf: {  	[dreg:$0x0] =	wrdreg $0xFFFFFFFF;
	(pc) =	sbr.abs _section_cstart, $3  }
0xc0: {  	[dreg:$0x1] =	wrdreg $0xFFFFFFFF  }
0xc1: {  	_ =	task.clear_ibuf [dreg:s6], $0x2FFFF;
	_ =	strace $0x9FFFFFFF  }
0xc2: {  	(tm) =	ssettm $0x7FFFFFFF  }
0xc3: {  	_ =	shalt  }
tec
execute0_lowered:
.L_overlay_start_1:
0x0: {  	(tag) =	ssettag $0x1  }
0x1: {  	s6 =	rddreg [dreg:$0x0]  }
0x2: {  	s1 =	rddreg [dreg:$0x1]  }
0x3: {  	s2 =	simm.s32 $0x0;
	s5 =	srdreg.scid;
	s0 =	stileid.u32  }
0x4: {  	s18 =	simm.s32 $0x1;
	s19 =	simm.s32 $0x2;
	s20 =	simm.s32 $0x6200  }
0x5: {  	s21 =	simm.s32 $0x0;
	[smem:$0x7FF] =	sst s2;
	s4 =	sadd.s32 $0x99800, s6  }
0x6: {  	s5 =	sand.u32 $0x1, s5;
	s11 =	sadd.s32 $0xD400, s6;
	s7 =	sshll.u32 s0, $0xE  }
0x7: {  	s12 =	sadd.s32 $0x1000, s6;
	_ =	strace $0x8000004A;
	s8 =	sshll.u32 s5, $0x12  }
0x8: {  	s9 =	sshll.u32 s5, $0x4;
	s10 =	ssub.s32 $0x2, s5;
	s5 =	sadd.s32 s7, s1  }
0x9: {  	s8 =	sor.u32 s7, s8;
	s15 =	sor.u32 s0, s9;
	s31 =	sshrl.u32 s10, $0x1  }
0xa: {  	s7 =	sadd.s32 $0x2000, s5;
	s8 =	sshrl.u32 s8, $0x3;
	s13 =	smul.u32 $0x3100, s15  }
0xb: {  	s16 =	ssub.s32 s10, s31;
	p0 =	seq.s32 s15, $0x1F;
	s15 =	simm.s32 $0xA200  }
0xc: {  	s14 =	sadd.s32 s8, s6;
	s6 =	sadd.s32 $0x1000, s5;
	s13 =	sshrl.u32 s13, $0x3  }
0xd: {  	s9 =	sadd.s32 s11, s13;
	s10 =	sadd.s32 s12, s13;
	s13 =	sadd.s32 $0x570, s13  }
0xe: {  	s8 =	sadd.s32 $0x3000, s5;
	s11 =	sadd.s32 s11, s13;
	s12 =	sadd.s32 s12, s13  }
0xf: {  	v0 =	vimm.f32 $0.0e+00;
	s13 =	sadd.s32 $0x19800, s14;
	s14 =	smax.u32 s16, $0x1;
	s16 =	simm.s32 $0x3  }
.LBB2_1:
0x10: {  	s23 =	simm.s32 $0x100;
	s22 =	simm.s32 $0x0  }
.LBB2_2:
0x11: {  	p1 =	sne.s32 s23, $0x3F00;
	[tilespmem:s22+$0xA230] =	vst v0;
	s24 =	smov.u32 s23;
	s23 =	sadd.s32 $0x100, s23  }
.Ltmp0:
0x12: {  	[tilespmem:s22+$0xA220] =	vst v0;
	(pc) =	sbr.rel @p1 .LBB2_2-.Ltmp0, $3  }
0x13: {  	[tilespmem:s22+$0xA200] =	vst v0  }
0x14: {  	[tilespmem:s22+$0xA210] =	vst v0;
	_ =	sdelay $0x1  }
0x15: {  	s22 =	sshra.s32 s24, $0x2  }
0x16: {  	[tilespmem:s22+$0xA230] =	vst v0  }
0x17: {  	[tilespmem:s22+$0xA220] =	vst v0  }
0x18: {  	[tilespmem:s22+$0xA200] =	vst v0  }
0x19: {  	[tilespmem:s22+$0xA210] =	vst v0  }
0x1a: {  	[spmem:s5] =	stream.linear.scatter [tilespmem:s15], [sflag:$0x3], $0x1000, $0x38;
	[tilespmem:$0xF200] =	vst v63  }
0x1b: {  	_ =	swait.ge [sflag:s16], $0x1000  }
0x1c: {  	[sflag:s16] =	ssyncset.done $0x0  }
0x1d: {  	[sflag:s16] =	ssyncadd.s32 $0xFFFFF000  }
0x1e: {  	[spmem:s6] =	stream.linear.scatter [tilespmem:s15], [sflag:$0x3], $0x1000, $0x38;
	[tilespmem:$0xF200] =	vst v63  }
0x1f: {  	_ =	swait.ge [sflag:s16], $0x1000  }
0x20: {  	[sflag:s16] =	ssyncset.done $0x0  }
0x21: {  	[sflag:s16] =	ssyncadd.s32 $0xFFFFF000  }
0x22: {  	[spmem:s7] =	stream.linear.scatter [tilespmem:s15], [sflag:$0x3], $0x1000, $0x38;
	[tilespmem:$0xF200] =	vst v63  }
0x23: {  	_ =	swait.ge [sflag:s16], $0x1000  }
0x24: {  	[sflag:s16] =	ssyncset.done $0x0  }
0x25: {  	[sflag:s16] =	ssyncadd.s32 $0xFFFFF000  }
0x26: {  	[spmem:s8] =	stream.linear.scatter [tilespmem:s15], [sflag:$0x3], $0x1000, $0x38;
	[tilespmem:$0xF200] =	vst v63  }
0x27: {  	_ =	swait.ge [sflag:s16], $0x1000  }
0x28: {  	[sflag:s16] =	ssyncset.done $0x0  }
0x29: {  	[sflag:s16] =	ssyncadd.s32 $0xFFFFF000  }
0x2a: {  	[tilespmem:s2], [sflag:$0x1] =	stream.linear.gather [hbm4b:s9+s2], $0x2B80, $0x38;
	[tilespmem:$0xF200] =	vst v63  }
0x2b: {  	s0 =	simm.s32 $0x3100  }
0x2c: {  	[tilespmem:s0], [sflag:$0x2] =	stream.linear.gather [hbm4b:s10+s2], $0x2B80, $0x38;
	[tilespmem:$0xF200] =	vst v63  }
0x2d: {  	s22 =	simm.s32 @!p0 $0x0;
	s23 =	simm.s32 @!p0 $0x2B80  }
0x2e: {  	[tilespmem:s23], [sflag:$0x1] =	stream.linear.gather @!p0 [hbm4b:s11+s22], $0x580, $0x38;
	[tilespmem:$0xF200] =	vst v63  }
0x2f: {  	s23 =	simm.s32 @!p0 $0x5C80  }
0x30: {  	[tilespmem:s23], [sflag:$0x2] =	stream.linear.gather @!p0 [hbm4b:s12+s22], $0x580, $0x38;
	[tilespmem:$0xF200] =	vst v63  }
0x31: {  	s22 =	simm.s32 @!p0 $0x1  }
0x32: {  	_ =	swait.ge @!p0 [sflag:s22], $0x580  }
0x33: {  	[sflag:s22] =	ssyncset.done @!p0 $0x0  }
0x34: {  	[sflag:s22] =	ssyncadd.s32 @!p0 $0xFFFFFA80;
	s22 =	simm.s32 @!p0 $0x2  }
0x35: {  	_ =	swait.ge @!p0 [sflag:s22], $0x580  }
0x36: {  	[sflag:s22] =	ssyncset.done @!p0 $0x0  }
0x37: {  	[sflag:s22] =	ssyncadd.s32 @!p0 $0xFFFFFA80  }
0x38: {  	_ =	swait.ge [sflag:s18], $0x2B80  }
0x39: {  	[sflag:s18] =	ssyncset.done $0x0  }
0x3a: {  	[sflag:s18] =	ssyncadd.s32 $0xFFFFD480  }
0x3b: {  	s22 =	simm.s32 @!p0 $0x62;
	_ =	swait.ge [sflag:s19], $0x2B80  }
0x3c: {  	s22 =	simm.s32 @p0 $0x57;
	[sflag:s19] =	ssyncset.done $0x0  }
0x3d: {  	s24 =	simm.s32 $0x80;
	p4 =	sne.s32 s22, $0x1;
	[sflag:s19] =	ssyncadd.s32 $0xFFFFD480  }
.Ltmp1:
0x3e: {  	s25 =	simm.s32 $0x0;
	[bflag:$0x0] =	sbarrier.arrive $0xFFFF;
	(pc) =	sbr.rel @!p4 .LBB2_4-.Ltmp1, $4  }
0x3f: {  	[tilespmem:s20], [sflag:$0x1] =	stream.indirect.gather [hbm4b:s4+s24], $0x40, s25, s24, $0xb8;
	[tilespmem:$0xF200] =	vst v63  }
0x40: {  	s28 =	simm.s32 $0x3100;
	s31 =	sshll.u32 s22, $0x7;
	s25 =	sand.u32 $0x1, s25  }
0x41: {  	s29 =	simm.s32 $0x1;
	s23 =	sadd.s32 $0xFFFFFF80, s31;
	p1 =	seq.s32 s25, $0x1  }
0x42: {  	p2 =	por $0x0, $0x0;
	p5 =	sgt.s32 @p1 s23, $0x80;
	p3 =	sgt.s32 @!p1 s23, $0x80  }
0x43: {  	p2 =	por !p5, !p1;
	s25 =	simm.s32 @p1 $0x2;
	s26 =	simm.s32 $0x80  }
0x44: {  	s30 =	simm.s32 @p1 $0x80;
	s31 =	simm.s32 @p1 $0x6200;
	s26 =	smov.u32 @p2 s23  }
0x45: {  	[tilespmem:s31], [sflag:$0x1] =	stream.indirect.gather @p1 [hbm4b:s4+s30], $0x40, s26, s30, $0xb8;
	[tilespmem:$0xF200] =	vst v63  }
0x46: {  	s17 =	sand.u32 $0x1, s29;
	s29 =	simm.s32 @!p1 $0x6200;
	_ =	swait.ge @p1 [sflag:s25], $0x2000  }
0x47: {  	p4 =	sne.s32 s22, $0x2;
	p2 =	por !p3, p1;
	[sflag:s25] =	ssyncset.done @p1 $0x0  }
0x48: {  	s31 =	simm.s32 @!p1 $0x1;
	[sflag:s25] =	ssyncadd.s32 @p1 $0xFFFFE000;
	s25 =	simm.s32 @p1 $0x8200  }
0x49: {  	[spmem:s1] =	stream.indirect.scatter.add.f32 @p1 [tilespmem:s25], [sflag:$0x3], $0x40, s28, s30, $0xb8;
	[tilespmem:$0xF200] =	vst v63  }
0x4a: {  	s24 =	smov.u32 @p2 s23;
	s30 =	simm.s32 @!p1 $0x80;
	s25 =	simm.s32 @!p1 $0x8200  }
0x4b: {  	[tilespmem:s25], [sflag:$0x2] =	stream.indirect.gather @!p1 [hbm4b:s4+s30], $0x40, s24, s30, $0xb8;
	[tilespmem:$0xF200] =	vst v63  }
0x4c: {  	s26 =	simm.s32 @!p1 $0x4;
	p2 =	por $0x1, $0x1;
	_ =	swait.ge @!p1 [sflag:s31], $0x2000  }
.Ltmp2:
0x4d: {  	s26 =	simm.s32 @p1 $0x3;
	[sflag:s31] =	ssyncset.done @!p1 $0x0;
	(pc) =	sbr.rel @!p4 .LBB2_6-.Ltmp2, $4  }
0x4e: {  	s25 =	simm.s32 $0x2;
	s24 =	simm.s32 $0x100;
	[sflag:s31] =	ssyncadd.s32 @!p1 $0xFFFFE000  }
0x4f: {  	[spmem:s1] =	stream.indirect.scatter.add.f32 @!p1 [tilespmem:s29], [sflag:$0x4], $0x40, s28, s30, $0xb8;
	[tilespmem:$0xF200] =	vst v63  }
0x50: {  	s28 =	simm.s32 $0x3180;
	p1 =	seq.s32 s17, $0x1;
	_ =	swait.ge [sflag:s26], $0x2000  }
0x51: {  	p5 =	sgt.s32 @p1 s23, $0x100;
	p3 =	sgt.s32 @!p1 s23, $0x100;
	[sflag:s26] =	ssyncset.done $0x0  }
.LBB2_7:
0x52: {  	p4 =	por !p5, !p1;
	s29 =	simm.s32 @p1 $0x2;
	[sflag:s26] =	ssyncadd.s32 $0xFFFFE000  }
0x53: {  	s30 =	smov.u32 s25;
	s31 =	smov.u32 s28;
	s26 =	smov.u32 s24  }
0x54: {  	s0 =	simm.s32 @p1 $0x80;
	s3 =	simm.s32 @p1 $0x6200;
	s26 =	smov.u32 @p4 s23  }
0x55: {  	[tilespmem:s3], [sflag:$0x1] =	stream.indirect.gather @p1 [hbm4b:s4+s0], $0x40, s26, s0, $0xb8;
	[tilespmem:$0xF200] =	vst v63  }
0x56: {  	s25 =	sadd.s32 $0x1, s25;
	s26 =	simm.s32 @!p1 $0x4;
	_ =	swait.ge @p1 [sflag:s29], $0x2000  }
0x57: {  	p4 =	sne.s32 s22, s25;
	s3 =	simm.s32 @!p1 $0x1;
	[sflag:s29] =	ssyncset.done @p1 $0x0  }
0x58: {  	p3 =	por !p3, p1;
	[sflag:s29] =	ssyncadd.s32 @p1 $0xFFFFE000;
	s29 =	simm.s32 @p1 $0x8200  }
0x59: {  	[spmem:s1] =	stream.indirect.scatter.add.f32 @p1 [tilespmem:s29], [sflag:$0x3], $0x40, s28, s0, $0xb8;
	[tilespmem:$0xF200] =	vst v63  }
0x5a: {  	s0 =	smov.u32 s24  }
0x5b: {  	s17 =	simm.s32 @!p1 $0x8200;
	s29 =	simm.s32 @!p1 $0x80;
	s0 =	smov.u32 @p3 s23  }
0x5c: {  	[tilespmem:s17], [sflag:$0x2] =	stream.indirect.gather @!p1 [hbm4b:s4+s29], $0x40, s0, s29, $0xb8;
	[tilespmem:$0xF200] =	vst v63  }
0x5d: {  	s28 =	sadd.s32 $0x80, s28;
	_ =	swait.ge @!p1 [sflag:s3], $0x2000  }
.Ltmp3:
0x5e: {  	s26 =	simm.s32 @p1 $0x3;
	[sflag:s3] =	ssyncset.done @!p1 $0x0;
	(pc) =	sbr.rel @p4 .LBB2_7-.Ltmp3, $4  }
0x5f: {  	s0 =	sand.u32 $0x1, s30;
	[sflag:s3] =	ssyncadd.s32 @!p1 $0xFFFFE000;
	s3 =	simm.s32 @!p1 $0x6200  }
0x60: {  	[spmem:s1] =	stream.indirect.scatter.add.f32 @!p1 [tilespmem:s3], [sflag:$0x4], $0x40, s31, s29, $0xb8;
	[tilespmem:$0xF200] =	vst v63  }
0x61: {  	s24 =	sadd.s32 $0x80, s24;
	p1 =	seq.s32 s0, $0x1;
	_ =	swait.ge [sflag:s26], $0x2000  }
0x62: {  	p5 =	slt.s32 @p1 s24, s23;
	p3 =	slt.s32 @!p1 s24, s23;
	[sflag:s26] =	ssyncset.done $0x0  }
.LBB2_8:
0x63: {  	p4 =	por !p5, !p1  }
0x64: {  	s0 =	simm.s32 @p1 $0x2;
	[sflag:s26] =	ssyncadd.s32 @p2 $0xFFFFE000;
	s3 =	smov.u32 s24  }
0x65: {  	s17 =	simm.s32 @p1 $0x80;
	s25 =	simm.s32 @p1 $0x6200;
	s3 =	smov.u32 @p4 s23  }
0x66: {  	[tilespmem:s25], [sflag:$0x1] =	stream.indirect.gather @p1 [hbm4b:s4+s17], $0x40, s3, s17, $0xb8;
	[tilespmem:$0xF200] =	vst v63  }
0x67: {  	_ =	swait.ge @p1 [sflag:s0], $0x2000  }
0x68: {  	p2 =	por !p3, p1;
	[sflag:s0] =	ssyncset.done @p1 $0x0  }
0x69: {  	s24 =	smov.u32 @p2 s23;
	[sflag:s0] =	ssyncadd.s32 @p1 $0xFFFFE000;
	s0 =	simm.s32 @p1 $0x8200  }
0x6a: {  	[spmem:s1] =	stream.indirect.scatter.add.f32 @p1 [tilespmem:s0], [sflag:$0x3], $0x40, s28, s17, $0xb8;
	[tilespmem:$0xF200] =	vst v63  }
0x6b: {  	s3 =	simm.s32 @!p1 $0x1;
	s0 =	simm.s32 @!p1 $0x80;
	s17 =	simm.s32 @!p1 $0x8200  }
0x6c: {  	[tilespmem:s17], [sflag:$0x2] =	stream.indirect.gather @!p1 [hbm4b:s4+s0], $0x40, s24, s0, $0xb8;
	[tilespmem:$0xF200] =	vst v63  }
0x6d: {  	_ =	swait.ge @!p1 [sflag:s3], $0x2000  }
0x6e: {  	s17 =	simm.s32 @!p1 $0x4;
	[sflag:s3] =	ssyncset.done @!p1 $0x0  }
0x6f: {  	s17 =	simm.s32 @p1 $0x3;
	[sflag:s3] =	ssyncadd.s32 @!p1 $0xFFFFE000;
	s3 =	simm.s32 @!p1 $0x6200  }
0x70: {  	[spmem:s1] =	stream.indirect.scatter.add.f32 @!p1 [tilespmem:s3], [sflag:$0x4], $0x40, s28, s0, $0xb8;
	[tilespmem:$0xF200] =	vst v63  }
0x71: {  	s29 =	sand.u32 $0x1, s22;
	_ =	swait.ge [sflag:s17], $0x2000  }
0x72: {  	p1 =	seq.s32 s29, $0x1;
	s0 =	simm.s32 $0x2;
	[sflag:s17] =	ssyncset.done $0x0  }
0x73: {  	s0 =	simm.s32 @!p1 $0x1;
	[sflag:s17] =	ssyncadd.s32 $0xFFFFE000  }
0x74: {  	_ =	swait.ge [sflag:s0], $0x2000  }
0x75: {  	s30 =	stileid.u32;
	s31 =	sshrl.u32 s5, $0x3;
	[sflag:s0] =	ssyncset.done $0x0  }
0x76: {  	s21 =	sadd.s32 $0x1, s21;
	[sflag:s0] =	ssyncadd.s32 $0xFFFFE000;
	s0 =	sshll.u32 s30, $0x6  }
0x77: {  	p1 =	sne.s32 s21, s14;
	[bflag:$0x0] =	sbarrier.arrive $0xFFFF;
	s0 =	sor.u32 $0x1C03, s0  }
0x78: {  	[hbm:s13], [sflag:s0] =	dma.local [spmem:s31], $0x800  }
.Ltmp4:
0x79: {  	_ = 	snop;
	(pc) =	sbr.rel @p1 .LBB2_1-.Ltmp4, $4  }
.Ltmp5:
0x7a: {  	_ = 	snop;
	(pc) =	sbr.rel @!p1 .LBB2_9-.Ltmp5, $4  }
0x7b: {  	_ =	swait.ge [sflag:s16], $0x800  }
0x7c: {  	[sflag:s16] =	ssyncset.done $0x0  }
0x7d: {  	[sflag:s16] =	ssyncadd.s32 $0xFFFFF800  }
0x7e: {  	_ = 	snop  }
.LBB2_4:
.Ltmp6:
0x7f: {  	(pc) =	sbr.rel .LBB2_8-.Ltmp6, $2  }
0x80: {  	_ =	sdelay $0x2  }
0x81: {  	_ = 	snop  }
.LBB2_6:
.Ltmp7:
0x82: {  	(pc) =	sbr.rel .LBB2_8-.Ltmp7, $2  }
0x83: {  	_ =	sdelay $0x2  }
0x84: {  	s28 =	simm.s32 $0x3180  }
.LBB2_9:
0x85: {  	_ =	sfence.sel $0x180000  }
0x86: {  	[bflag:$0x0] =	sbarrier.arrive $0xFFFF  }
0x87: {  	_ =	strace $0x9000004A  }
0x88: {  	s0 =	stileid.u32;
	[bflag:$0x2] =	sbarrier.arrive $0xFFFF  }
0x89: {  	p0 =	sne.s32 s0, $0x0;
	s0 =	rddreg [dreg:$0x2]  }
0x8a: {  	s0 =	sadd.s32 @!p0 $0x100000, s0  }
0x8b: {  	[sflag:s0] =	ssyncadd.tile.s32 @!p0 $0x1;
	_ =	shalt  }
.Lfunc_end2:
_tile_overlayer_lowered:
.L_overlay_start_2:
0x8c: {  	(tag) =	ssettag $0x2  }
0x8d: {  	s0 =	rddreg [dreg:$0x0];
	s2 =	stileid.u32  }
0x8e: {  	s1 =	rddreg [dreg:$0x1];
	p0 =	sne.s32 s2, $0x0  }
0x8f: {  	s3 =	rddreg [dreg:$0x2];
	[bflag:$0x3] =	sbarrier.arrive $0xFFFF;
	s2 =	simm.s32 @!p0 $0x1C03  }
0x90: {  	[timem:s3], [sflag:s2] =	dma.local @!p0 [hbm:s0], s1  }
0x91: {  	s0 =	simm.s32 @!p0 $0x3  }
0x92: {  	_ =	swait.ge @!p0 [sflag:s0], s1  }
0x93: {  	s1 =	ssub.s32 @!p0 $0x0, s1;
	[sflag:s0] =	ssyncset.done @!p0 $0x0  }
0x94: {  	[sflag:s0] =	ssyncadd.s32 @!p0 s1  }
0x95: {  	[bflag:$0x3] =	sbarrier.arrive $0xFFFF  }
0x96: {  	_ =	shalt  }

</sc_bundles>
